<compile_context>
chip_gen: v7x
topology: tpu7x:2x2x1
jax: 0.10.2.dev20260603
libtpu: 0.0.44.dev20260713+nightly
codegen_flags: <defaults>
</compile_context>

<pallas_src>
import functools

import jax
import jax.numpy as jnp
import numpy as np
from jax import lax
from jax.experimental import pallas as pl
from jax.experimental.pallas import tpu as pltpu
from jax.experimental.pallas import tpu_sc as plsc

LATENT = 16
KERNEL = 32
EDGE_D = 4
DEPTH = 3
N_NODES = 10000
N_EDGES = 160000

NUM_CORES = 2
NUM_SUBCORES = 16
NW = NUM_CORES * NUM_SUBCORES
CHUNK = 128
NCHUNK = 40
EPW = NCHUNK * CHUNK
EPAD = NW * EPW
ACC_ROWS = N_NODES + LATENT
ROWS_PER_TILE = ACC_ROWS // NUM_SUBCORES
NODE_ROWS_PER_TILE = N_NODES // NUM_SUBCORES
BE = 8192
PK = 8
BR = BE // PK
QROWS = EPAD // PK


_PREC = lax.Precision.HIGHEST

_SC_PARAMS = pltpu.CompilerParams(use_tc_tiling_on_sc=False)


@functools.cache
def _vector_mesh():
    return plsc.VectorSubcoreMesh(
        core_axis_name="c", subcore_axis_name="s",
        num_cores=NUM_CORES, num_subcores=NUM_SUBCORES,
    )


def _gelu(x):
    return 0.5 * x * (1.0 + lax.erf(x * np.float32(1.0 / np.sqrt(2.0))))


def _gather_body(xp_hbm, idx3_hbm, out_hbm, idx_v, rows_v, xsh, sem):
    c = lax.axis_index("c")
    s = lax.axis_index("s")
    wid = c * NUM_SUBCORES + s
    pltpu.sync_copy(
        xp_hbm.at[pl.ds(s * NODE_ROWS_PER_TILE, NODE_ROWS_PER_TILE)],
        xsh.at[pl.ds(s * NODE_ROWS_PER_TILE, NODE_ROWS_PER_TILE)],
    )
    pltpu.sync_copy(idx3_hbm.at[wid], idx_v)
    plsc.subcore_barrier()

    @pl.loop(0, NCHUNK)
    def _fire(j):
        pltpu.async_copy(
            xsh.at[idx_v.at[j]], rows_v.at[pl.ds(j * CHUNK, CHUNK)], sem
        )

    @pl.loop(0, NCHUNK)
    def _drain(j):
        del j
        pltpu.make_async_copy(
            xp_hbm.at[pl.ds(0, CHUNK)],
            rows_v.at[pl.ds(0, CHUNK)],
            sem,
        ).wait()

    pltpu.sync_copy(rows_v, out_hbm.at[pl.ds(wid * EPW, EPW)])


def _sc_gather(xp, src3):
    k = pl.kernel(
        _gather_body,
        out_type=jax.ShapeDtypeStruct((EPAD, LATENT), jnp.float32),
        mesh=_vector_mesh(),
        scratch_types=[
            pltpu.VMEM((NCHUNK, CHUNK), jnp.int32),
            pltpu.VMEM((EPW, LATENT), jnp.float32),
            pltpu.VMEM_SHARED((N_NODES, LATENT), jnp.float32),
            pltpu.SemaphoreType.DMA,
        ],
        compiler_params=_SC_PARAMS,
    )
    return k(xp, src3)


def _scatter_body(msg_hbm, idx3_hbm, zeros_hbm, out_hbm, idx_v, rows_v, acc, sem):
    c = lax.axis_index("c")
    s = lax.axis_index("s")
    wid = c * NUM_SUBCORES + s
    pltpu.sync_copy(
        zeros_hbm.at[pl.ds(s * ROWS_PER_TILE, ROWS_PER_TILE)],
        acc.at[pl.ds(s * ROWS_PER_TILE, ROWS_PER_TILE)],
    )
    pltpu.sync_copy(idx3_hbm.at[wid], idx_v)
    pltpu.sync_copy(msg_hbm.at[pl.ds(wid * EPW, EPW)], rows_v)
    plsc.subcore_barrier()

    @pl.loop(0, NCHUNK)
    def _scat(j):
        pltpu.sync_copy(
            rows_v.at[pl.ds(j * CHUNK, CHUNK)], acc.at[idx_v.at[j]], add=True
        )

    plsc.subcore_barrier()
    pltpu.sync_copy(
        acc.at[pl.ds(s * ROWS_PER_TILE, ROWS_PER_TILE)],
        out_hbm.at[c].at[pl.ds(s * ROWS_PER_TILE, ROWS_PER_TILE)],
    )


def _sc_scatter(msg, dst3, zeros):
    k = pl.kernel(
        _scatter_body,
        out_type=jax.ShapeDtypeStruct((NUM_CORES, ACC_ROWS, LATENT), jnp.float32),
        mesh=_vector_mesh(),
        scratch_types=[
            pltpu.VMEM((NCHUNK, CHUNK), jnp.int32),
            pltpu.VMEM((EPW, LATENT), jnp.float32),
            pltpu.VMEM_SHARED((ACC_ROWS, LATENT), jnp.float32),
            pltpu.SemaphoreType.DMA,
        ],
        compiler_params=_SC_PARAMS,
    )
    return k(msg, dst3, zeros)


def _mlp_body(eaq_ref, w1k_ref, b1q_ref, w2k_ref, b2q_ref, out_ref):
    h = jnp.dot(eaq_ref[...], w1k_ref[...]) + b1q_ref[...]
    h = _gelu(h)
    h = jnp.dot(h, w2k_ref[...]) + b2q_ref[...]
    out_ref[...] = _gelu(h)


def _tc_mlp(eaq, W1k, b1q, W2k, b2q):
    hq = PK * KERNEL
    return pl.pallas_call(
        _mlp_body,
        grid=(EPAD // BE,),
        in_specs=[
            pl.BlockSpec((BR, PK * EDGE_D), lambda i: (i, 0)),
            pl.BlockSpec((PK * EDGE_D, hq), lambda i: (0, 0)),
            pl.BlockSpec((1, hq), lambda i: (0, 0)),
            pl.BlockSpec((hq, hq), lambda i: (0, 0)),
            pl.BlockSpec((1, hq), lambda i: (0, 0)),
        ],
        out_specs=pl.BlockSpec((BR, hq), lambda i: (i, 0)),
        out_shape=jax.ShapeDtypeStruct((QROWS, hq), jnp.float32),
    )(eaq, W1k, b1q, W2k, b2q)


def _msg_body(xsq_ref, h2q_ref, w3_ref, b3_ref, r_ref, s_ref, out_ref):
    w3 = w3_ref[...]
    b3 = b3_ref[...]
    r = r_ref[...]
    s = s_ref[...]
    subs = []
    for e in range(PK):
        xs = xsq_ref[:, e * LATENT:(e + 1) * LATENT]
        h2 = h2q_ref[:, e * KERNEL:(e + 1) * KERNEL]
        w = jnp.dot(h2, w3) + b3
        xr = jnp.dot(xs, r, preferred_element_type=jnp.float32)
        subs.append(jnp.dot(w * xr, s, preferred_element_type=jnp.float32))
    out_ref[...] = jnp.concatenate(subs, axis=1)


def _tc_msg(xsq, h2q, W3, b3, R, S):
    lsq = LATENT * LATENT
    hq = PK * KERNEL
    return pl.pallas_call(
        _msg_body,
        grid=(EPAD // BE,),
        in_specs=[
            pl.BlockSpec((BR, PK * LATENT), lambda i: (i, 0)),
            pl.BlockSpec((BR, hq), lambda i: (i, 0)),
            pl.BlockSpec((KERNEL, lsq), lambda i: (0, 0)),
            pl.BlockSpec((1, lsq), lambda i: (0, 0)),
            pl.BlockSpec((LATENT, lsq), lambda i: (0, 0)),
            pl.BlockSpec((lsq, LATENT), lambda i: (0, 0)),
        ],
        out_specs=pl.BlockSpec((BR, PK * LATENT), lambda i: (i, 0)),
        out_shape=jax.ShapeDtypeStruct((QROWS, PK * LATENT), jnp.float32),
    )(xsq, h2q, W3, b3.reshape(1, lsq), R, S)


def _upd_body(agg_ref, x_ref, wr_ref, rb_ref, out_ref, *, act):
    x = x_ref[...]
    y = agg_ref[0] + agg_ref[1] + jnp.dot(x, wr_ref[...]) + rb_ref[...]
    if act:
        y = _gelu(y)
    out_ref[...] = y


def _tc_update(agg2, x, W_root, root_bias, act):
    return pl.pallas_call(
        functools.partial(_upd_body, act=act),
        grid=(1,),
        in_specs=[
            pl.BlockSpec((NUM_CORES, N_NODES, LATENT), lambda i: (0, 0, 0)),
            pl.BlockSpec((N_NODES, LATENT), lambda i: (0, 0)),
            pl.BlockSpec((LATENT, LATENT), lambda i: (0, 0)),
            pl.BlockSpec((1, LATENT), lambda i: (0, 0)),
        ],
        out_specs=pl.BlockSpec((N_NODES, LATENT), lambda i: (0, 0)),
        out_shape=jax.ShapeDtypeStruct((N_NODES, LATENT), jnp.float32),
    )(agg2, x, W_root, root_bias.reshape(1, LATENT))


def kernel(nodes, edge_index, edge_attr, W1, b1, W2, b2, W3, b3, W_root, root_bias):
    pad = EPAD - N_EDGES
    src3 = jnp.concatenate(
        [edge_index[0], jnp.zeros((pad,), jnp.int32)]
    ).reshape(NW, NCHUNK, CHUNK)
    dst3 = jnp.concatenate(
        [edge_index[1], jnp.full((pad,), N_NODES, jnp.int32)]
    ).reshape(NW, NCHUNK, CHUNK)
    zeros = jnp.zeros((ACC_ROWS, LATENT), jnp.float32)

    lsq = LATENT * LATENT
    col = np.arange(lsq)
    R = jnp.asarray(
        (np.arange(LATENT)[:, None] == (col[None, :] // LATENT)), jnp.float32
    )
    S = jnp.asarray(
        ((col[:, None] % LATENT) == np.arange(LATENT)[None, :]), jnp.float32
    )

    eye = jnp.eye(PK, dtype=jnp.float32)
    W1k = jnp.kron(eye, W1)
    W2k = jnp.kron(eye, W2)
    b1q = jnp.tile(b1, PK).reshape(1, PK * KERNEL)
    b2q = jnp.tile(b2, PK).reshape(1, PK * KERNEL)
    eaq = jnp.pad(
        edge_attr.reshape(N_EDGES // PK, PK * EDGE_D),
        ((0, QROWS - N_EDGES // PK), (0, 0)),
    )

    h2q = _tc_mlp(eaq, W1k, b1q, W2k, b2q)

    x = nodes
    for d in range(DEPTH):
        xs = _sc_gather(x, src3)
        msgq = _tc_msg(xs.reshape(QROWS, PK * LATENT), h2q, W3, b3, R, S)
        agg2 = _sc_scatter(msgq.reshape(EPAD, LATENT), dst3, zeros)
        x = _tc_update(agg2, x, W_root, root_bias, act=d < DEPTH - 1)
    return x

# --- scband reference (transcript-rebuilt; emitter-appended) ---
"""Pipeline reference for scband-gnoblock-single-conv-30494267802196 (READ-ONLY COPY).

The authoritative reference and input builder live on the scoring server;
editing this copy changes nothing except your own understanding.
"""

import jax, jax.numpy as jnp
import numpy as np

LATENT = 16
KERNEL = 32
EDGE_D = 4
DEPTH = 3
N_NODES = 10000
N_EDGES = 160000


def setup_inputs(seed: int = 0) -> dict:
    key = jax.random.key(seed)
    ks = jax.random.split(key, 12)
    nodes = jax.random.normal(ks[0], (N_NODES, LATENT), dtype=jnp.float32)
    edge_index = jax.random.randint(ks[1], (2, N_EDGES), 0, N_NODES, dtype=jnp.int32)
    edge_attr = jax.random.normal(ks[2], (N_EDGES, EDGE_D), dtype=jnp.float32)
    # DenseNet kernel MLP params: [edge_dims -> kernel -> kernel -> latent^2], GELU between layers
    W1 = jax.random.normal(ks[3], (EDGE_D, KERNEL), dtype=jnp.float32) / np.sqrt(EDGE_D)
    b1 = jnp.zeros((KERNEL,), dtype=jnp.float32)
    W2 = jax.random.normal(ks[4], (KERNEL, KERNEL), dtype=jnp.float32) / np.sqrt(KERNEL)
    b2 = jnp.zeros((KERNEL,), dtype=jnp.float32)
    W3 = jax.random.normal(ks[5], (KERNEL, LATENT * LATENT), dtype=jnp.float32) / np.sqrt(KERNEL)
    b3 = jnp.zeros((LATENT * LATENT,), dtype=jnp.float32)
    # NNConv root weight + bias
    W_root = jax.random.normal(ks[6], (LATENT, LATENT), dtype=jnp.float32) / np.sqrt(LATENT)
    root_bias = jnp.zeros((LATENT,), dtype=jnp.float32)
    return {"nodes": nodes, "edge_index": edge_index, "edge_attr": edge_attr,
            "W1": W1, "b1": b1, "W2": W2, "b2": b2, "W3": W3, "b3": b3,
            "W_root": W_root, "root_bias": root_bias}


def reference(nodes, edge_index, edge_attr, W1, b1, W2, b2, W3, b3, W_root, root_bias):
    src = edge_index[0]
    dst = edge_index[1]
    # Edge-conditioned kernel: per-edge [latent, latent] weight matrix (same across depth since conv is shared)
    h = jax.nn.gelu(edge_attr @ W1 + b1, approximate=False)
    h = jax.nn.gelu(h @ W2 + b2, approximate=False)
    w = (h @ W3 + b3).reshape(-1, LATENT, LATENT)
    x = nodes
    for idx in range(DEPTH):
        # NNConv: message = x_src @ kernel(edge_attr); aggr='add' at dst; plus root transform + bias
        msg = jnp.einsum('ei,eio->eo', x[src], w)
        agg = jax.ops.segment_sum(msg, dst, num_segments=N_NODES)
        x = agg + x @ W_root + root_bias
        if idx < DEPTH - 1:
            x = jax.nn.gelu(x, approximate=False)
    return x

if __name__ == "__main__":
    import jax
    _d = setup_inputs()
    print(jax.jit(kernel)(*tuple(_d.values())))

</pallas_src>

<mosaic_0001>
#map = affine_map<(d0, d1) -> (0, 0)>
#map1 = affine_map<(d0, d1) -> (0, 0, 0)>
module attributes {stable_mosaic.version = 14 : i64} {
  func.func @_scatter_body(%arg0: i32, %arg1: i32, %arg2: memref<163840x16xf32, #tpu.memory_space<hbm>>, %arg3: memref<32x40x128xi32, #tpu.memory_space<hbm>>, %arg4: memref<10016x16xf32, #tpu.memory_space<hbm>>, %arg5: memref<2x10016x16xf32, #tpu.memory_space<hbm>>, %arg6: memref<40x128xi32, #tpu.memory_space<vmem>>, %arg7: memref<5120x16xf32, #tpu.memory_space<vmem>>, %arg8: memref<10016x16xf32, #tpu.memory_space<vmem_shared>>, %arg9: memref<!tpu.dma_semaphore, #tpu.memory_space<semaphore_mem>>) attributes {dimension_semantics = [#tpu.dimension_semantics<core_parallel>, #tpu.dimension_semantics<subcore_parallel>], iteration_bounds = array<i64: 2, 16>, scalar_prefetch = 0 : i64, scratch_operands = 4 : i64, tpu.core_type = #tpu.core_type<sc_vector_subcore>, window_params = [{transform_indices = #map}, {transform_indices = #map1}, {transform_indices = #map}, {transform_indices = #map1}]} {
    %mul3A = arith.constant 16 : i32
    %mul3A_0 = arith.muli %arg0, %mul3A : i32
    %add3A = arith.addi %mul3A_0, %arg1 : i32
    %mul3A_1 = arith.constant 626 : i32
    %mul3A_2 = arith.muli %arg1, %mul3A_1 : i32
    %mul3A_3 = arith.constant 626 : i32
    %mul3A_4 = arith.muli %arg1, %mul3A_3 : i32
    "tpu.region"() ({
      %run_scoped3A = tpu.sem_alloc : memref<!tpu.dma_semaphore, #tpu.memory_space<semaphore_mem>>
      %dma_start3A = arith.constant 0 : i32
      %dma_start3A_16 = tpu.memref_slice %arg8[%mul3A_4, %dma_start3A] : memref<10016x16xf32, #tpu.memory_space<vmem_shared>> -> memref<626x16xf32, #tpu.memory_space<vmem_shared>>
      %dma_start3A_17 = arith.constant 0 : i32
      %dma_start3A_18 = tpu.memref_slice %arg4[%mul3A_2, %dma_start3A_17] : memref<10016x16xf32, #tpu.memory_space<hbm>> -> memref<626x16xf32, #tpu.memory_space<hbm>>
      tpu.enqueue_dma source(%dma_start3A_18 : memref<626x16xf32, #tpu.memory_space<hbm>>) target(%dma_start3A_16 : memref<626x16xf32, #tpu.memory_space<vmem_shared>>) target_semaphore(%run_scoped3A : memref<!tpu.dma_semaphore, #tpu.memory_space<semaphore_mem>>)
      %dma_wait3A = arith.constant 0 : i32
      %dma_wait3A_19 = tpu.memref_slice %arg8[%mul3A_4, %dma_wait3A] : memref<10016x16xf32, #tpu.memory_space<vmem_shared>> -> memref<626x16xf32, #tpu.memory_space<vmem_shared>>
      %dma_wait3A_20 = arith.constant 0 : i32
      %dma_wait3A_21 = tpu.memref_slice %arg4[%mul3A_2, %dma_wait3A_20] : memref<10016x16xf32, #tpu.memory_space<hbm>> -> memref<626x16xf32, #tpu.memory_space<hbm>>
      tpu.wait_dma2 semaphore(%run_scoped3A : memref<!tpu.dma_semaphore, #tpu.memory_space<semaphore_mem>>) src(%dma_wait3A_21 : memref<626x16xf32, #tpu.memory_space<hbm>>) dst(%dma_wait3A_19 : memref<626x16xf32, #tpu.memory_space<vmem_shared>>)
      tpu.yield
    }) : () -> ()
    "tpu.region"() ({
      %run_scoped3A = tpu.sem_alloc : memref<!tpu.dma_semaphore, #tpu.memory_space<semaphore_mem>>
      %dma_start3A = arith.constant 0 : i32
      %dma_start3A_16 = arith.constant 0 : i32
      %dma_start3A_17 = tpu.memref_slice %arg3[%add3A, %dma_start3A, %dma_start3A_16] : memref<32x40x128xi32, #tpu.memory_space<hbm>> -> memref<1x40x128xi32, #tpu.memory_space<hbm>>
      %dma_start3A_18 = tpu.memref_squeeze %dma_start3A_17 : memref<1x40x128xi32, #tpu.memory_space<hbm>> -> memref<40x128xi32, #tpu.memory_space<hbm>>
      %dma_start3A_19 = arith.constant 0 : i32
      %dma_start3A_20 = arith.constant 0 : i32
      %dma_start3A_21 = tpu.memref_slice %arg3[%add3A, %dma_start3A_19, %dma_start3A_20] : memref<32x40x128xi32, #tpu.memory_space<hbm>> -> memref<1x40x128xi32, #tpu.memory_space<hbm>>
      %dma_start3A_22 = tpu.memref_squeeze %dma_start3A_21 : memref<1x40x128xi32, #tpu.memory_space<hbm>> -> memref<40x128xi32, #tpu.memory_space<hbm>>
      tpu.enqueue_dma source(%dma_start3A_22 : memref<40x128xi32, #tpu.memory_space<hbm>>) target(%arg6 : memref<40x128xi32, #tpu.memory_space<vmem>>) target_semaphore(%run_scoped3A : memref<!tpu.dma_semaphore, #tpu.memory_space<semaphore_mem>>)
      %dma_wait3A = arith.constant 0 : i32
      %dma_wait3A_23 = arith.constant 0 : i32
      %dma_wait3A_24 = tpu.memref_slice %arg3[%add3A, %dma_wait3A, %dma_wait3A_23] : memref<32x40x128xi32, #tpu.memory_space<hbm>> -> memref<1x40x128xi32, #tpu.memory_space<hbm>>
      %dma_wait3A_25 = tpu.memref_squeeze %dma_wait3A_24 : memref<1x40x128xi32, #tpu.memory_space<hbm>> -> memref<40x128xi32, #tpu.memory_space<hbm>>
      %dma_wait3A_26 = arith.constant 0 : i32
      %dma_wait3A_27 = arith.constant 0 : i32
      %dma_wait3A_28 = tpu.memref_slice %arg3[%add3A, %dma_wait3A_26, %dma_wait3A_27] : memref<32x40x128xi32, #tpu.memory_space<hbm>> -> memref<1x40x128xi32, #tpu.memory_space<hbm>>
      %dma_wait3A_29 = tpu.memref_squeeze %dma_wait3A_28 : memref<1x40x128xi32, #tpu.memory_space<hbm>> -> memref<40x128xi32, #tpu.memory_space<hbm>>
      tpu.wait_dma2 semaphore(%run_scoped3A : memref<!tpu.dma_semaphore, #tpu.memory_space<semaphore_mem>>) src(%dma_wait3A_29 : memref<40x128xi32, #tpu.memory_space<hbm>>) dst(%arg6 : memref<40x128xi32, #tpu.memory_space<vmem>>)
      tpu.yield
    }) : () -> ()
    %mul3A_5 = arith.constant 5120 : i32
    %mul3A_6 = arith.muli %add3A, %mul3A_5 : i32
    "tpu.region"() ({
      %run_scoped3A = tpu.sem_alloc : memref<!tpu.dma_semaphore, #tpu.memory_space<semaphore_mem>>
      %dma_start3A = arith.constant 0 : i32
      %dma_start3A_16 = tpu.memref_slice %arg2[%mul3A_6, %dma_start3A] : memref<163840x16xf32, #tpu.memory_space<hbm>> -> memref<5120x16xf32, #tpu.memory_space<hbm>>
      %dma_start3A_17 = arith.constant 0 : i32
      %dma_start3A_18 = tpu.memref_slice %arg2[%mul3A_6, %dma_start3A_17] : memref<163840x16xf32, #tpu.memory_space<hbm>> -> memref<5120x16xf32, #tpu.memory_space<hbm>>
      tpu.enqueue_dma source(%dma_start3A_18 : memref<5120x16xf32, #tpu.memory_space<hbm>>) target(%arg7 : memref<5120x16xf32, #tpu.memory_space<vmem>>) target_semaphore(%run_scoped3A : memref<!tpu.dma_semaphore, #tpu.memory_space<semaphore_mem>>)
      %dma_wait3A = arith.constant 0 : i32
      %dma_wait3A_19 = tpu.memref_slice %arg2[%mul3A_6, %dma_wait3A] : memref<163840x16xf32, #tpu.memory_space<hbm>> -> memref<5120x16xf32, #tpu.memory_space<hbm>>
      %dma_wait3A_20 = arith.constant 0 : i32
      %dma_wait3A_21 = tpu.memref_slice %arg2[%mul3A_6, %dma_wait3A_20] : memref<163840x16xf32, #tpu.memory_space<hbm>> -> memref<5120x16xf32, #tpu.memory_space<hbm>>
      tpu.wait_dma2 semaphore(%run_scoped3A : memref<!tpu.dma_semaphore, #tpu.memory_space<semaphore_mem>>) src(%dma_wait3A_21 : memref<5120x16xf32, #tpu.memory_space<hbm>>) dst(%arg7 : memref<5120x16xf32, #tpu.memory_space<vmem>>)
      tpu.yield
    }) : () -> ()
    %barrier3A = arith.constant 0 : index
    tpu.barrier barrier_id(%barrier3A)
    %scan3A = arith.constant 0 : i32
    %scan3A_7 = arith.constant 40 : i32
    %scan3A_8 = arith.addi %scan3A, %scan3A_7 : i32
    %scan3A_9 = arith.constant 1 : i32
    scf.for %scan3A_16 = %scan3A to %scan3A_8 step %scan3A_9  : i32 {
      %mul3A_17 = arith.constant 1 : i32
      %mul3A_18 = arith.muli %scan3A_16, %mul3A_17 : i32
      %add3A_19 = arith.constant 0 : i32
      %add3A_20 = arith.addi %add3A_19, %mul3A_18 : i32
      %mul3A_21 = arith.constant 128 : i32
      %mul3A_22 = arith.muli %add3A_20, %mul3A_21 : i32
      "tpu.region"() ({
        %run_scoped3A = tpu.sem_alloc : memref<!tpu.dma_semaphore, #tpu.memory_space<semaphore_mem>>
        %dma_start3A = arith.constant 0 : i32
        %dma_start3A_23 = tpu.memref_slice %arg7[%mul3A_22, %dma_start3A] : memref<5120x16xf32, #tpu.memory_space<vmem>> -> memref<128x16xf32, #tpu.memory_space<vmem>>
        %dma_start3A_24 = arith.constant 0 : i32
        %dma_start3A_25 = tpu.memref_slice %arg6[%add3A_20, %dma_start3A_24] : memref<40x128xi32, #tpu.memory_space<vmem>> -> memref<1x128xi32, #tpu.memory_space<vmem>>
        %dma_start3A_26 = tpu.memref_squeeze %dma_start3A_25 : memref<1x128xi32, #tpu.memory_space<vmem>> -> memref<128xi32, #tpu.memory_space<vmem>>
        %dma_start3A_27 = arith.constant 0 : i32
        %dma_start3A_28 = arith.constant 0 : i32
        %dma_start3A_29 = tpu.memref_slice %arg8[%dma_start3A_27, %dma_start3A_28] : memref<10016x16xf32, #tpu.memory_space<vmem_shared>> -> memref<10016x16xf32, #tpu.memory_space<vmem_shared>>
        tpu.enqueue_indirect_dma source(%dma_start3A_23 : memref<128x16xf32, #tpu.memory_space<vmem>>) target(%dma_start3A_29 : memref<10016x16xf32, #tpu.memory_space<vmem_shared>>) offsets(%dma_start3A_26 : memref<128xi32, #tpu.memory_space<vmem>>) semaphore(%run_scoped3A : memref<!tpu.dma_semaphore, #tpu.memory_space<semaphore_mem>>) {add = true}
        %dma_wait3A = arith.constant 0 : i32
        %dma_wait3A_30 = tpu.memref_slice %arg7[%mul3A_22, %dma_wait3A] : memref<5120x16xf32, #tpu.memory_space<vmem>> -> memref<128x16xf32, #tpu.memory_space<vmem>>
        %dma_wait3A_31 = arith.constant 0 : i32
        %dma_wait3A_32 = tpu.memref_slice %arg6[%add3A_20, %dma_wait3A_31] : memref<40x128xi32, #tpu.memory_space<vmem>> -> memref<1x128xi32, #tpu.memory_space<vmem>>
        %dma_wait3A_33 = tpu.memref_squeeze %dma_wait3A_32 : memref<1x128xi32, #tpu.memory_space<vmem>> -> memref<128xi32, #tpu.memory_space<vmem>>
        %dma_wait3A_34 = arith.constant 0 : i32
        %dma_wait3A_35 = arith.constant 0 : i32
        %dma_wait3A_36 = tpu.memref_slice %arg8[%dma_wait3A_34, %dma_wait3A_35] : memref<10016x16xf32, #tpu.memory_space<vmem_shared>> -> memref<10016x16xf32, #tpu.memory_space<vmem_shared>>
        tpu.wait_indirect_dma semaphore(%run_scoped3A : memref<!tpu.dma_semaphore, #tpu.memory_space<semaphore_mem>>) src(%dma_wait3A_30 : memref<128x16xf32, #tpu.memory_space<vmem>>) dst(%dma_wait3A_36 : memref<10016x16xf32, #tpu.memory_space<vmem_shared>>)
        tpu.yield
      }) : () -> ()
    }
    %scan3A_10 = arith.constant 40 : i32
    %barrier3A_11 = arith.constant 0 : index
    tpu.barrier barrier_id(%barrier3A_11)
    %mul3A_12 = arith.constant 626 : i32
    %mul3A_13 = arith.muli %arg1, %mul3A_12 : i32
    %mul3A_14 = arith.constant 626 : i32
    %mul3A_15 = arith.muli %arg1, %mul3A_14 : i32
    "tpu.region"() ({
      %run_scoped3A = tpu.sem_alloc : memref<!tpu.dma_semaphore, #tpu.memory_space<semaphore_mem>>
      %dma_start3A = arith.constant 0 : i32
      %dma_start3A_16 = arith.constant 0 : i32
      %dma_start3A_17 = tpu.memref_slice %arg5[%arg0, %dma_start3A, %dma_start3A_16] : memref<2x10016x16xf32, #tpu.memory_space<hbm>> -> memref<1x10016x16xf32, #tpu.memory_space<hbm>>
      %dma_start3A_18 = tpu.memref_squeeze %dma_start3A_17 : memref<1x10016x16xf32, #tpu.memory_space<hbm>> -> memref<10016x16xf32, #tpu.memory_space<hbm>>
      %dma_start3A_19 = arith.constant 0 : i32
      %dma_start3A_20 = tpu.memref_slice %dma_start3A_18[%mul3A_15, %dma_start3A_19] : memref<10016x16xf32, #tpu.memory_space<hbm>> -> memref<626x16xf32, #tpu.memory_space<hbm>>
      %dma_start3A_21 = arith.constant 0 : i32
      %dma_start3A_22 = tpu.memref_slice %arg8[%mul3A_13, %dma_start3A_21] : memref<10016x16xf32, #tpu.memory_space<vmem_shared>> -> memref<626x16xf32, #tpu.memory_space<vmem_shared>>
      tpu.enqueue_dma source(%dma_start3A_22 : memref<626x16xf32, #tpu.memory_space<vmem_shared>>) target(%dma_start3A_20 : memref<626x16xf32, #tpu.memory_space<hbm>>) target_semaphore(%run_scoped3A : memref<!tpu.dma_semaphore, #tpu.memory_space<semaphore_mem>>)
      %dma_wait3A = arith.constant 0 : i32
      %dma_wait3A_23 = arith.constant 0 : i32
      %dma_wait3A_24 = tpu.memref_slice %arg5[%arg0, %dma_wait3A, %dma_wait3A_23] : memref<2x10016x16xf32, #tpu.memory_space<hbm>> -> memref<1x10016x16xf32, #tpu.memory_space<hbm>>
      %dma_wait3A_25 = tpu.memref_squeeze %dma_wait3A_24 : memref<1x10016x16xf32, #tpu.memory_space<hbm>> -> memref<10016x16xf32, #tpu.memory_space<hbm>>
      %dma_wait3A_26 = arith.constant 0 : i32
      %dma_wait3A_27 = tpu.memref_slice %dma_wait3A_25[%mul3A_15, %dma_wait3A_26] : memref<10016x16xf32, #tpu.memory_space<hbm>> -> memref<626x16xf32, #tpu.memory_space<hbm>>
      %dma_wait3A_28 = arith.constant 0 : i32
      %dma_wait3A_29 = tpu.memref_slice %arg8[%mul3A_13, %dma_wait3A_28] : memref<10016x16xf32, #tpu.memory_space<vmem_shared>> -> memref<626x16xf32, #tpu.memory_space<vmem_shared>>
      tpu.wait_dma2 semaphore(%run_scoped3A : memref<!tpu.dma_semaphore, #tpu.memory_space<semaphore_mem>>) src(%dma_wait3A_29 : memref<626x16xf32, #tpu.memory_space<vmem_shared>>) dst(%dma_wait3A_27 : memref<626x16xf32, #tpu.memory_space<hbm>>)
      tpu.yield
    }) : () -> ()
    return
  }
}

#map = affine_map<(d0, d1) -> (0, 0)>
#map1 = affine_map<(d0, d1) -> (0, 0, 0)>
module attributes {stable_mosaic.version = 14 : i64} {
  func.func @_gather_body(%arg0: i32, %arg1: i32, %arg2: memref<10000x16xf32, #tpu.memory_space<hbm>>, %arg3: memref<32x40x128xi32, #tpu.memory_space<hbm>>, %arg4: memref<163840x16xf32, #tpu.memory_space<hbm>>, %arg5: memref<40x128xi32, #tpu.memory_space<vmem>>, %arg6: memref<5120x16xf32, #tpu.memory_space<vmem>>, %arg7: memref<10000x16xf32, #tpu.memory_space<vmem_shared>>, %arg8: memref<!tpu.dma_semaphore, #tpu.memory_space<semaphore_mem>>) attributes {dimension_semantics = [#tpu.dimension_semantics<core_parallel>, #tpu.dimension_semantics<subcore_parallel>], iteration_bounds = array<i64: 2, 16>, scalar_prefetch = 0 : i64, scratch_operands = 4 : i64, tpu.core_type = #tpu.core_type<sc_vector_subcore>, window_params = [{transform_indices = #map}, {transform_indices = #map1}, {transform_indices = #map}]} {
    %mul3A = arith.constant 16 : i32
    %mul3A_0 = arith.muli %arg0, %mul3A : i32
    %add3A = arith.addi %mul3A_0, %arg1 : i32
    %mul3A_1 = arith.constant 625 : i32
    %mul3A_2 = arith.muli %arg1, %mul3A_1 : i32
    %mul3A_3 = arith.constant 625 : i32
    %mul3A_4 = arith.muli %arg1, %mul3A_3 : i32
    "tpu.region"() ({
      %run_scoped3A = tpu.sem_alloc : memref<!tpu.dma_semaphore, #tpu.memory_space<semaphore_mem>>
      %dma_start3A = arith.constant 0 : i32
      %dma_start3A_16 = tpu.memref_slice %arg7[%mul3A_4, %dma_start3A] : memref<10000x16xf32, #tpu.memory_space<vmem_shared>> -> memref<625x16xf32, #tpu.memory_space<vmem_shared>>
      %dma_start3A_17 = arith.constant 0 : i32
      %dma_start3A_18 = tpu.memref_slice %arg2[%mul3A_2, %dma_start3A_17] : memref<10000x16xf32, #tpu.memory_space<hbm>> -> memref<625x16xf32, #tpu.memory_space<hbm>>
      tpu.enqueue_dma source(%dma_start3A_18 : memref<625x16xf32, #tpu.memory_space<hbm>>) target(%dma_start3A_16 : memref<625x16xf32, #tpu.memory_space<vmem_shared>>) target_semaphore(%run_scoped3A : memref<!tpu.dma_semaphore, #tpu.memory_space<semaphore_mem>>)
      %dma_wait3A = arith.constant 0 : i32
      %dma_wait3A_19 = tpu.memref_slice %arg7[%mul3A_4, %dma_wait3A] : memref<10000x16xf32, #tpu.memory_space<vmem_shared>> -> memref<625x16xf32, #tpu.memory_space<vmem_shared>>
      %dma_wait3A_20 = arith.constant 0 : i32
      %dma_wait3A_21 = tpu.memref_slice %arg2[%mul3A_2, %dma_wait3A_20] : memref<10000x16xf32, #tpu.memory_space<hbm>> -> memref<625x16xf32, #tpu.memory_space<hbm>>
      tpu.wait_dma2 semaphore(%run_scoped3A : memref<!tpu.dma_semaphore, #tpu.memory_space<semaphore_mem>>) src(%dma_wait3A_21 : memref<625x16xf32, #tpu.memory_space<hbm>>) dst(%dma_wait3A_19 : memref<625x16xf32, #tpu.memory_space<vmem_shared>>)
      tpu.yield
    }) : () -> ()
    "tpu.region"() ({
      %run_scoped3A = tpu.sem_alloc : memref<!tpu.dma_semaphore, #tpu.memory_space<semaphore_mem>>
      %dma_start3A = arith.constant 0 : i32
      %dma_start3A_16 = arith.constant 0 : i32
      %dma_start3A_17 = tpu.memref_slice %arg3[%add3A, %dma_start3A, %dma_start3A_16] : memref<32x40x128xi32, #tpu.memory_space<hbm>> -> memref<1x40x128xi32, #tpu.memory_space<hbm>>
      %dma_start3A_18 = tpu.memref_squeeze %dma_start3A_17 : memref<1x40x128xi32, #tpu.memory_space<hbm>> -> memref<40x128xi32, #tpu.memory_space<hbm>>
      %dma_start3A_19 = arith.constant 0 : i32
      %dma_start3A_20 = arith.constant 0 : i32
      %dma_start3A_21 = tpu.memref_slice %arg3[%add3A, %dma_start3A_19, %dma_start3A_20] : memref<32x40x128xi32, #tpu.memory_space<hbm>> -> memref<1x40x128xi32, #tpu.memory_space<hbm>>
      %dma_start3A_22 = tpu.memref_squeeze %dma_start3A_21 : memref<1x40x128xi32, #tpu.memory_space<hbm>> -> memref<40x128xi32, #tpu.memory_space<hbm>>
      tpu.enqueue_dma source(%dma_start3A_22 : memref<40x128xi32, #tpu.memory_space<hbm>>) target(%arg5 : memref<40x128xi32, #tpu.memory_space<vmem>>) target_semaphore(%run_scoped3A : memref<!tpu.dma_semaphore, #tpu.memory_space<semaphore_mem>>)
      %dma_wait3A = arith.constant 0 : i32
      %dma_wait3A_23 = arith.constant 0 : i32
      %dma_wait3A_24 = tpu.memref_slice %arg3[%add3A, %dma_wait3A, %dma_wait3A_23] : memref<32x40x128xi32, #tpu.memory_space<hbm>> -> memref<1x40x128xi32, #tpu.memory_space<hbm>>
      %dma_wait3A_25 = tpu.memref_squeeze %dma_wait3A_24 : memref<1x40x128xi32, #tpu.memory_space<hbm>> -> memref<40x128xi32, #tpu.memory_space<hbm>>
      %dma_wait3A_26 = arith.constant 0 : i32
      %dma_wait3A_27 = arith.constant 0 : i32
      %dma_wait3A_28 = tpu.memref_slice %arg3[%add3A, %dma_wait3A_26, %dma_wait3A_27] : memref<32x40x128xi32, #tpu.memory_space<hbm>> -> memref<1x40x128xi32, #tpu.memory_space<hbm>>
      %dma_wait3A_29 = tpu.memref_squeeze %dma_wait3A_28 : memref<1x40x128xi32, #tpu.memory_space<hbm>> -> memref<40x128xi32, #tpu.memory_space<hbm>>
      tpu.wait_dma2 semaphore(%run_scoped3A : memref<!tpu.dma_semaphore, #tpu.memory_space<semaphore_mem>>) src(%dma_wait3A_29 : memref<40x128xi32, #tpu.memory_space<hbm>>) dst(%arg5 : memref<40x128xi32, #tpu.memory_space<vmem>>)
      tpu.yield
    }) : () -> ()
    %barrier3A = arith.constant 0 : index
    tpu.barrier barrier_id(%barrier3A)
    %scan3A = arith.constant 0 : i32
    %scan3A_5 = arith.constant 40 : i32
    %scan3A_6 = arith.addi %scan3A, %scan3A_5 : i32
    %scan3A_7 = arith.constant 1 : i32
    scf.for %scan3A_16 = %scan3A to %scan3A_6 step %scan3A_7  : i32 {
      %mul3A_17 = arith.constant 1 : i32
      %mul3A_18 = arith.muli %scan3A_16, %mul3A_17 : i32
      %add3A_19 = arith.constant 0 : i32
      %add3A_20 = arith.addi %add3A_19, %mul3A_18 : i32
      %mul3A_21 = arith.constant 128 : i32
      %mul3A_22 = arith.muli %add3A_20, %mul3A_21 : i32
      %dma_start3A = arith.constant 0 : i32
      %dma_start3A_23 = tpu.memref_slice %arg6[%mul3A_22, %dma_start3A] : memref<5120x16xf32, #tpu.memory_space<vmem>> -> memref<128x16xf32, #tpu.memory_space<vmem>>
      %dma_start3A_24 = arith.constant 0 : i32
      %dma_start3A_25 = tpu.memref_slice %arg5[%add3A_20, %dma_start3A_24] : memref<40x128xi32, #tpu.memory_space<vmem>> -> memref<1x128xi32, #tpu.memory_space<vmem>>
      %dma_start3A_26 = tpu.memref_squeeze %dma_start3A_25 : memref<1x128xi32, #tpu.memory_space<vmem>> -> memref<128xi32, #tpu.memory_space<vmem>>
      %dma_start3A_27 = arith.constant 0 : i32
      %dma_start3A_28 = arith.constant 0 : i32
      %dma_start3A_29 = tpu.memref_slice %arg7[%dma_start3A_27, %dma_start3A_28] : memref<10000x16xf32, #tpu.memory_space<vmem_shared>> -> memref<10000x16xf32, #tpu.memory_space<vmem_shared>>
      tpu.enqueue_indirect_dma source(%dma_start3A_29 : memref<10000x16xf32, #tpu.memory_space<vmem_shared>>) target(%dma_start3A_23 : memref<128x16xf32, #tpu.memory_space<vmem>>) offsets(%dma_start3A_26 : memref<128xi32, #tpu.memory_space<vmem>>) semaphore(%arg8 : memref<!tpu.dma_semaphore, #tpu.memory_space<semaphore_mem>>)
    }
    %scan3A_8 = arith.constant 40 : i32
    %scan3A_9 = arith.constant 0 : i32
    %scan3A_10 = arith.constant 40 : i32
    %scan3A_11 = arith.addi %scan3A_9, %scan3A_10 : i32
    %scan3A_12 = arith.constant 1 : i32
    scf.for %scan3A_16 = %scan3A_9 to %scan3A_11 step %scan3A_12  : i32 {
      %mul3A_17 = arith.constant 1 : i32
      %mul3A_18 = arith.muli %scan3A_16, %mul3A_17 : i32
      %add3A_19 = arith.constant 0 : i32
      %add3A_20 = arith.addi %add3A_19, %mul3A_18 : i32
      %dma_wait3A = arith.constant 0 : i32
      %dma_wait3A_21 = arith.constant 0 : i32
      %dma_wait3A_22 = tpu.memref_slice %arg6[%dma_wait3A, %dma_wait3A_21] : memref<5120x16xf32, #tpu.memory_space<vmem>> -> memref<128x16xf32, #tpu.memory_space<vmem>>
      %dma_wait3A_23 = arith.constant 0 : i32
      %dma_wait3A_24 = arith.constant 0 : i32
      %dma_wait3A_25 = tpu.memref_slice %arg2[%dma_wait3A_23, %dma_wait3A_24] : memref<10000x16xf32, #tpu.memory_space<hbm>> -> memref<128x16xf32, #tpu.memory_space<hbm>>
      %dma_wait3A_26 = arith.constant 0 : i32
      %dma_wait3A_27 = arith.constant 0 : i32
      %dma_wait3A_28 = tpu.memref_slice %arg6[%dma_wait3A_26, %dma_wait3A_27] : memref<5120x16xf32, #tpu.memory_space<vmem>> -> memref<128x16xf32, #tpu.memory_space<vmem>>
      %dma_wait3A_29 = arith.constant 0 : i32
      %dma_wait3A_30 = arith.constant 0 : i32
      %dma_wait3A_31 = tpu.memref_slice %arg2[%dma_wait3A_29, %dma_wait3A_30] : memref<10000x16xf32, #tpu.memory_space<hbm>> -> memref<128x16xf32, #tpu.memory_space<hbm>>
      tpu.wait_dma2 semaphore(%arg8 : memref<!tpu.dma_semaphore, #tpu.memory_space<semaphore_mem>>) src(%dma_wait3A_31 : memref<128x16xf32, #tpu.memory_space<hbm>>) dst(%dma_wait3A_28 : memref<128x16xf32, #tpu.memory_space<vmem>>)
    }
    %scan3A_13 = arith.constant 40 : i32
    %mul3A_14 = arith.constant 5120 : i32
    %mul3A_15 = arith.muli %add3A, %mul3A_14 : i32
    "tpu.region"() ({
      %run_scoped3A = tpu.sem_alloc : memref<!tpu.dma_semaphore, #tpu.memory_space<semaphore_mem>>
      %dma_start3A = arith.constant 0 : i32
      %dma_start3A_16 = tpu.memref_slice %arg4[%mul3A_15, %dma_start3A] : memref<163840x16xf32, #tpu.memory_space<hbm>> -> memref<5120x16xf32, #tpu.memory_space<hbm>>
      %dma_start3A_17 = arith.constant 0 : i32
      %dma_start3A_18 = tpu.memref_slice %arg4[%mul3A_15, %dma_start3A_17] : memref<163840x16xf32, #tpu.memory_space<hbm>> -> memref<5120x16xf32, #tpu.memory_space<hbm>>
      tpu.enqueue_dma source(%arg6 : memref<5120x16xf32, #tpu.memory_space<vmem>>) target(%dma_start3A_18 : memref<5120x16xf32, #tpu.memory_space<hbm>>) target_semaphore(%run_scoped3A : memref<!tpu.dma_semaphore, #tpu.memory_space<semaphore_mem>>)
      %dma_wait3A = arith.constant 0 : i32
      %dma_wait3A_19 = tpu.memref_slice %arg4[%mul3A_15, %dma_wait3A] : memref<163840x16xf32, #tpu.memory_space<hbm>> -> memref<5120x16xf32, #tpu.memory_space<hbm>>
      %dma_wait3A_20 = arith.constant 0 : i32
      %dma_wait3A_21 = tpu.memref_slice %arg4[%mul3A_15, %dma_wait3A_20] : memref<163840x16xf32, #tpu.memory_space<hbm>> -> memref<5120x16xf32, #tpu.memory_space<hbm>>
      tpu.wait_dma2 semaphore(%run_scoped3A : memref<!tpu.dma_semaphore, #tpu.memory_space<semaphore_mem>>) src(%arg6 : memref<5120x16xf32, #tpu.memory_space<vmem>>) dst(%dma_wait3A_21 : memref<5120x16xf32, #tpu.memory_space<hbm>>)
      tpu.yield
    }) : () -> ()
    return
  }
}

#map = affine_map<(d0, d1) -> (0, 0)>
#map1 = affine_map<(d0, d1) -> (0, 0, 0)>
module attributes {stable_mosaic.version = 14 : i64} {
  func.func @_gather_body(%arg0: i32, %arg1: i32, %arg2: memref<10000x16xf32, #tpu.memory_space<hbm>>, %arg3: memref<32x40x128xi32, #tpu.memory_space<hbm>>, %arg4: memref<163840x16xf32, #tpu.memory_space<hbm>>, %arg5: memref<40x128xi32, #tpu.memory_space<vmem>>, %arg6: memref<5120x16xf32, #tpu.memory_space<vmem>>, %arg7: memref<10000x16xf32, #tpu.memory_space<vmem_shared>>, %arg8: memref<!tpu.dma_semaphore, #tpu.memory_space<semaphore_mem>>) attributes {dimension_semantics = [#tpu.dimension_semantics<core_parallel>, #tpu.dimension_semantics<subcore_parallel>], iteration_bounds = array<i64: 2, 16>, scalar_prefetch = 0 : i64, scratch_operands = 4 : i64, tpu.core_type = #tpu.core_type<sc_vector_subcore>, window_params = [{transform_indices = #map}, {transform_indices = #map1}, {transform_indices = #map}]} {
    %mul3A = arith.constant 16 : i32
    %mul3A_0 = arith.muli %arg0, %mul3A : i32
    %add3A = arith.addi %mul3A_0, %arg1 : i32
    %mul3A_1 = arith.constant 625 : i32
    %mul3A_2 = arith.muli %arg1, %mul3A_1 : i32
    %mul3A_3 = arith.constant 625 : i32
    %mul3A_4 = arith.muli %arg1, %mul3A_3 : i32
    "tpu.region"() ({
      %run_scoped3A = tpu.sem_alloc : memref<!tpu.dma_semaphore, #tpu.memory_space<semaphore_mem>>
      %dma_start3A = arith.constant 0 : i32
      %dma_start3A_16 = tpu.memref_slice %arg7[%mul3A_4, %dma_start3A] : memref<10000x16xf32, #tpu.memory_space<vmem_shared>> -> memref<625x16xf32, #tpu.memory_space<vmem_shared>>
      %dma_start3A_17 = arith.constant 0 : i32
      %dma_start3A_18 = tpu.memref_slice %arg2[%mul3A_2, %dma_start3A_17] : memref<10000x16xf32, #tpu.memory_space<hbm>> -> memref<625x16xf32, #tpu.memory_space<hbm>>
      tpu.enqueue_dma source(%dma_start3A_18 : memref<625x16xf32, #tpu.memory_space<hbm>>) target(%dma_start3A_16 : memref<625x16xf32, #tpu.memory_space<vmem_shared>>) target_semaphore(%run_scoped3A : memref<!tpu.dma_semaphore, #tpu.memory_space<semaphore_mem>>)
      %dma_wait3A = arith.constant 0 : i32
      %dma_wait3A_19 = tpu.memref_slice %arg7[%mul3A_4, %dma_wait3A] : memref<10000x16xf32, #tpu.memory_space<vmem_shared>> -> memref<625x16xf32, #tpu.memory_space<vmem_shared>>
      %dma_wait3A_20 = arith.constant 0 : i32
      %dma_wait3A_21 = tpu.memref_slice %arg2[%mul3A_2, %dma_wait3A_20] : memref<10000x16xf32, #tpu.memory_space<hbm>> -> memref<625x16xf32, #tpu.memory_space<hbm>>
      tpu.wait_dma2 semaphore(%run_scoped3A : memref<!tpu.dma_semaphore, #tpu.memory_space<semaphore_mem>>) src(%dma_wait3A_21 : memref<625x16xf32, #tpu.memory_space<hbm>>) dst(%dma_wait3A_19 : memref<625x16xf32, #tpu.memory_space<vmem_shared>>)
      tpu.yield
    }) : () -> ()
    "tpu.region"() ({
      %run_scoped3A = tpu.sem_alloc : memref<!tpu.dma_semaphore, #tpu.memory_space<semaphore_mem>>
      %dma_start3A = arith.constant 0 : i32
      %dma_start3A_16 = arith.constant 0 : i32
      %dma_start3A_17 = tpu.memref_slice %arg3[%add3A, %dma_start3A, %dma_start3A_16] : memref<32x40x128xi32, #tpu.memory_space<hbm>> -> memref<1x40x128xi32, #tpu.memory_space<hbm>>
      %dma_start3A_18 = tpu.memref_squeeze %dma_start3A_17 : memref<1x40x128xi32, #tpu.memory_space<hbm>> -> memref<40x128xi32, #tpu.memory_space<hbm>>
      %dma_start3A_19 = arith.constant 0 : i32
      %dma_start3A_20 = arith.constant 0 : i32
      %dma_start3A_21 = tpu.memref_slice %arg3[%add3A, %dma_start3A_19, %dma_start3A_20] : memref<32x40x128xi32, #tpu.memory_space<hbm>> -> memref<1x40x128xi32, #tpu.memory_space<hbm>>
      %dma_start3A_22 = tpu.memref_squeeze %dma_start3A_21 : memref<1x40x128xi32, #tpu.memory_space<hbm>> -> memref<40x128xi32, #tpu.memory_space<hbm>>
      tpu.enqueue_dma source(%dma_start3A_22 : memref<40x128xi32, #tpu.memory_space<hbm>>) target(%arg5 : memref<40x128xi32, #tpu.memory_space<vmem>>) target_semaphore(%run_scoped3A : memref<!tpu.dma_semaphore, #tpu.memory_space<semaphore_mem>>)
      %dma_wait3A = arith.constant 0 : i32
      %dma_wait3A_23 = arith.constant 0 : i32
      %dma_wait3A_24 = tpu.memref_slice %arg3[%add3A, %dma_wait3A, %dma_wait3A_23] : memref<32x40x128xi32, #tpu.memory_space<hbm>> -> memref<1x40x128xi32, #tpu.memory_space<hbm>>
      %dma_wait3A_25 = tpu.memref_squeeze %dma_wait3A_24 : memref<1x40x128xi32, #tpu.memory_space<hbm>> -> memref<40x128xi32, #tpu.memory_space<hbm>>
      %dma_wait3A_26 = arith.constant 0 : i32
      %dma_wait3A_27 = arith.constant 0 : i32
      %dma_wait3A_28 = tpu.memref_slice %arg3[%add3A, %dma_wait3A_26, %dma_wait3A_27] : memref<32x40x128xi32, #tpu.memory_space<hbm>> -> memref<1x40x128xi32, #tpu.memory_space<hbm>>
      %dma_wait3A_29 = tpu.memref_squeeze %dma_wait3A_28 : memref<1x40x128xi32, #tpu.memory_space<hbm>> -> memref<40x128xi32, #tpu.memory_space<hbm>>
      tpu.wait_dma2 semaphore(%run_scoped3A : memref<!tpu.dma_semaphore, #tpu.memory_space<semaphore_mem>>) src(%dma_wait3A_29 : memref<40x128xi32, #tpu.memory_space<hbm>>) dst(%arg5 : memref<40x128xi32, #tpu.memory_space<vmem>>)
      tpu.yield
    }) : () -> ()
    %barrier3A = arith.constant 0 : index
    tpu.barrier barrier_id(%barrier3A)
    %scan3A = arith.constant 0 : i32
    %scan3A_5 = arith.constant 40 : i32
    %scan3A_6 = arith.addi %scan3A, %scan3A_5 : i32
    %scan3A_7 = arith.constant 1 : i32
    scf.for %scan3A_16 = %scan3A to %scan3A_6 step %scan3A_7  : i32 {
      %mul3A_17 = arith.constant 1 : i32
      %mul3A_18 = arith.muli %scan3A_16, %mul3A_17 : i32
      %add3A_19 = arith.constant 0 : i32
      %add3A_20 = arith.addi %add3A_19, %mul3A_18 : i32
      %mul3A_21 = arith.constant 128 : i32
      %mul3A_22 = arith.muli %add3A_20, %mul3A_21 : i32
      %dma_start3A = arith.constant 0 : i32
      %dma_start3A_23 = tpu.memref_slice %arg6[%mul3A_22, %dma_start3A] : memref<5120x16xf32, #tpu.memory_space<vmem>> -> memref<128x16xf32, #tpu.memory_space<vmem>>
      %dma_start3A_24 = arith.constant 0 : i32
      %dma_start3A_25 = tpu.memref_slice %arg5[%add3A_20, %dma_start3A_24] : memref<40x128xi32, #tpu.memory_space<vmem>> -> memref<1x128xi32, #tpu.memory_space<vmem>>
      %dma_start3A_26 = tpu.memref_squeeze %dma_start3A_25 : memref<1x128xi32, #tpu.memory_space<vmem>> -> memref<128xi32, #tpu.memory_space<vmem>>
      %dma_start3A_27 = arith.constant 0 : i32
      %dma_start3A_28 = arith.constant 0 : i32
      %dma_start3A_29 = tpu.memref_slice %arg7[%dma_start3A_27, %dma_start3A_28] : memref<10000x16xf32, #tpu.memory_space<vmem_shared>> -> memref<10000x16xf32, #tpu.memory_space<vmem_shared>>
      tpu.enqueue_indirect_dma source(%dma_start3A_29 : memref<10000x16xf32, #tpu.memory_space<vmem_shared>>) target(%dma_start3A_23 : memref<128x16xf32, #tpu.memory_space<vmem>>) offsets(%dma_start3A_26 : memref<128xi32, #tpu.memory_space<vmem>>) semaphore(%arg8 : memref<!tpu.dma_semaphore, #tpu.memory_space<semaphore_mem>>)
    }
    %scan3A_8 = arith.constant 40 : i32
    %scan3A_9 = arith.constant 0 : i32
    %scan3A_10 = arith.constant 40 : i32
    %scan3A_11 = arith.addi %scan3A_9, %scan3A_10 : i32
    %scan3A_12 = arith.constant 1 : i32
    scf.for %scan3A_16 = %scan3A_9 to %scan3A_11 step %scan3A_12  : i32 {
      %mul3A_17 = arith.constant 1 : i32
      %mul3A_18 = arith.muli %scan3A_16, %mul3A_17 : i32
      %add3A_19 = arith.constant 0 : i32
      %add3A_20 = arith.addi %add3A_19, %mul3A_18 : i32
      %dma_wait3A = arith.constant 0 : i32
      %dma_wait3A_21 = arith.constant 0 : i32
      %dma_wait3A_22 = tpu.memref_slice %arg6[%dma_wait3A, %dma_wait3A_21] : memref<5120x16xf32, #tpu.memory_space<vmem>> -> memref<128x16xf32, #tpu.memory_space<vmem>>
      %dma_wait3A_23 = arith.constant 0 : i32
      %dma_wait3A_24 = arith.constant 0 : i32
      %dma_wait3A_25 = tpu.memref_slice %arg2[%dma_wait3A_23, %dma_wait3A_24] : memref<10000x16xf32, #tpu.memory_space<hbm>> -> memref<128x16xf32, #tpu.memory_space<hbm>>
      %dma_wait3A_26 = arith.constant 0 : i32
      %dma_wait3A_27 = arith.constant 0 : i32
      %dma_wait3A_28 = tpu.memref_slice %arg6[%dma_wait3A_26, %dma_wait3A_27] : memref<5120x16xf32, #tpu.memory_space<vmem>> -> memref<128x16xf32, #tpu.memory_space<vmem>>
      %dma_wait3A_29 = arith.constant 0 : i32
      %dma_wait3A_30 = arith.constant 0 : i32
      %dma_wait3A_31 = tpu.memref_slice %arg2[%dma_wait3A_29, %dma_wait3A_30] : memref<10000x16xf32, #tpu.memory_space<hbm>> -> memref<128x16xf32, #tpu.memory_space<hbm>>
      tpu.wait_dma2 semaphore(%arg8 : memref<!tpu.dma_semaphore, #tpu.memory_space<semaphore_mem>>) src(%dma_wait3A_31 : memref<128x16xf32, #tpu.memory_space<hbm>>) dst(%dma_wait3A_28 : memref<128x16xf32, #tpu.memory_space<vmem>>)
    }
    %scan3A_13 = arith.constant 40 : i32
    %mul3A_14 = arith.constant 5120 : i32
    %mul3A_15 = arith.muli %add3A, %mul3A_14 : i32
    "tpu.region"() ({
      %run_scoped3A = tpu.sem_alloc : memref<!tpu.dma_semaphore, #tpu.memory_space<semaphore_mem>>
      %dma_start3A = arith.constant 0 : i32
      %dma_start3A_16 = tpu.memref_slice %arg4[%mul3A_15, %dma_start3A] : memref<163840x16xf32, #tpu.memory_space<hbm>> -> memref<5120x16xf32, #tpu.memory_space<hbm>>
      %dma_start3A_17 = arith.constant 0 : i32
      %dma_start3A_18 = tpu.memref_slice %arg4[%mul3A_15, %dma_start3A_17] : memref<163840x16xf32, #tpu.memory_space<hbm>> -> memref<5120x16xf32, #tpu.memory_space<hbm>>
      tpu.enqueue_dma source(%arg6 : memref<5120x16xf32, #tpu.memory_space<vmem>>) target(%dma_start3A_18 : memref<5120x16xf32, #tpu.memory_space<hbm>>) target_semaphore(%run_scoped3A : memref<!tpu.dma_semaphore, #tpu.memory_space<semaphore_mem>>)
      %dma_wait3A = arith.constant 0 : i32
      %dma_wait3A_19 = tpu.memref_slice %arg4[%mul3A_15, %dma_wait3A] : memref<163840x16xf32, #tpu.memory_space<hbm>> -> memref<5120x16xf32, #tpu.memory_space<hbm>>
      %dma_wait3A_20 = arith.constant 0 : i32
      %dma_wait3A_21 = tpu.memref_slice %arg4[%mul3A_15, %dma_wait3A_20] : memref<163840x16xf32, #tpu.memory_space<hbm>> -> memref<5120x16xf32, #tpu.memory_space<hbm>>
      tpu.wait_dma2 semaphore(%run_scoped3A : memref<!tpu.dma_semaphore, #tpu.memory_space<semaphore_mem>>) src(%arg6 : memref<5120x16xf32, #tpu.memory_space<vmem>>) dst(%dma_wait3A_21 : memref<5120x16xf32, #tpu.memory_space<hbm>>)
      tpu.yield
    }) : () -> ()
    return
  }
}

#map = affine_map<(d0, d1) -> (0, 0)>
#map1 = affine_map<(d0, d1) -> (0, 0, 0)>
module attributes {stable_mosaic.version = 14 : i64} {
  func.func @_scatter_body(%arg0: i32, %arg1: i32, %arg2: memref<163840x16xf32, #tpu.memory_space<hbm>>, %arg3: memref<32x40x128xi32, #tpu.memory_space<hbm>>, %arg4: memref<10016x16xf32, #tpu.memory_space<hbm>>, %arg5: memref<2x10016x16xf32, #tpu.memory_space<hbm>>, %arg6: memref<40x128xi32, #tpu.memory_space<vmem>>, %arg7: memref<5120x16xf32, #tpu.memory_space<vmem>>, %arg8: memref<10016x16xf32, #tpu.memory_space<vmem_shared>>, %arg9: memref<!tpu.dma_semaphore, #tpu.memory_space<semaphore_mem>>) attributes {dimension_semantics = [#tpu.dimension_semantics<core_parallel>, #tpu.dimension_semantics<subcore_parallel>], iteration_bounds = array<i64: 2, 16>, scalar_prefetch = 0 : i64, scratch_operands = 4 : i64, tpu.core_type = #tpu.core_type<sc_vector_subcore>, window_params = [{transform_indices = #map}, {transform_indices = #map1}, {transform_indices = #map}, {transform_indices = #map1}]} {
    %mul3A = arith.constant 16 : i32
    %mul3A_0 = arith.muli %arg0, %mul3A : i32
    %add3A = arith.addi %mul3A_0, %arg1 : i32
    %mul3A_1 = arith.constant 626 : i32
    %mul3A_2 = arith.muli %arg1, %mul3A_1 : i32
    %mul3A_3 = arith.constant 626 : i32
    %mul3A_4 = arith.muli %arg1, %mul3A_3 : i32
    "tpu.region"() ({
      %run_scoped3A = tpu.sem_alloc : memref<!tpu.dma_semaphore, #tpu.memory_space<semaphore_mem>>
      %dma_start3A = arith.constant 0 : i32
      %dma_start3A_16 = tpu.memref_slice %arg8[%mul3A_4, %dma_start3A] : memref<10016x16xf32, #tpu.memory_space<vmem_shared>> -> memref<626x16xf32, #tpu.memory_space<vmem_shared>>
      %dma_start3A_17 = arith.constant 0 : i32
      %dma_start3A_18 = tpu.memref_slice %arg4[%mul3A_2, %dma_start3A_17] : memref<10016x16xf32, #tpu.memory_space<hbm>> -> memref<626x16xf32, #tpu.memory_space<hbm>>
      tpu.enqueue_dma source(%dma_start3A_18 : memref<626x16xf32, #tpu.memory_space<hbm>>) target(%dma_start3A_16 : memref<626x16xf32, #tpu.memory_space<vmem_shared>>) target_semaphore(%run_scoped3A : memref<!tpu.dma_semaphore, #tpu.memory_space<semaphore_mem>>)
      %dma_wait3A = arith.constant 0 : i32
      %dma_wait3A_19 = tpu.memref_slice %arg8[%mul3A_4, %dma_wait3A] : memref<10016x16xf32, #tpu.memory_space<vmem_shared>> -> memref<626x16xf32, #tpu.memory_space<vmem_shared>>
      %dma_wait3A_20 = arith.constant 0 : i32
      %dma_wait3A_21 = tpu.memref_slice %arg4[%mul3A_2, %dma_wait3A_20] : memref<10016x16xf32, #tpu.memory_space<hbm>> -> memref<626x16xf32, #tpu.memory_space<hbm>>
      tpu.wait_dma2 semaphore(%run_scoped3A : memref<!tpu.dma_semaphore, #tpu.memory_space<semaphore_mem>>) src(%dma_wait3A_21 : memref<626x16xf32, #tpu.memory_space<hbm>>) dst(%dma_wait3A_19 : memref<626x16xf32, #tpu.memory_space<vmem_shared>>)
      tpu.yield
    }) : () -> ()
    "tpu.region"() ({
      %run_scoped3A = tpu.sem_alloc : memref<!tpu.dma_semaphore, #tpu.memory_space<semaphore_mem>>
      %dma_start3A = arith.constant 0 : i32
      %dma_start3A_16 = arith.constant 0 : i32
      %dma_start3A_17 = tpu.memref_slice %arg3[%add3A, %dma_start3A, %dma_start3A_16] : memref<32x40x128xi32, #tpu.memory_space<hbm>> -> memref<1x40x128xi32, #tpu.memory_space<hbm>>
      %dma_start3A_18 = tpu.memref_squeeze %dma_start3A_17 : memref<1x40x128xi32, #tpu.memory_space<hbm>> -> memref<40x128xi32, #tpu.memory_space<hbm>>
      %dma_start3A_19 = arith.constant 0 : i32
      %dma_start3A_20 = arith.constant 0 : i32
      %dma_start3A_21 = tpu.memref_slice %arg3[%add3A, %dma_start3A_19, %dma_start3A_20] : memref<32x40x128xi32, #tpu.memory_space<hbm>> -> memref<1x40x128xi32, #tpu.memory_space<hbm>>
      %dma_start3A_22 = tpu.memref_squeeze %dma_start3A_21 : memref<1x40x128xi32, #tpu.memory_space<hbm>> -> memref<40x128xi32, #tpu.memory_space<hbm>>
      tpu.enqueue_dma source(%dma_start3A_22 : memref<40x128xi32, #tpu.memory_space<hbm>>) target(%arg6 : memref<40x128xi32, #tpu.memory_space<vmem>>) target_semaphore(%run_scoped3A : memref<!tpu.dma_semaphore, #tpu.memory_space<semaphore_mem>>)
      %dma_wait3A = arith.constant 0 : i32
      %dma_wait3A_23 = arith.constant 0 : i32
      %dma_wait3A_24 = tpu.memref_slice %arg3[%add3A, %dma_wait3A, %dma_wait3A_23] : memref<32x40x128xi32, #tpu.memory_space<hbm>> -> memref<1x40x128xi32, #tpu.memory_space<hbm>>
      %dma_wait3A_25 = tpu.memref_squeeze %dma_wait3A_24 : memref<1x40x128xi32, #tpu.memory_space<hbm>> -> memref<40x128xi32, #tpu.memory_space<hbm>>
      %dma_wait3A_26 = arith.constant 0 : i32
      %dma_wait3A_27 = arith.constant 0 : i32
      %dma_wait3A_28 = tpu.memref_slice %arg3[%add3A, %dma_wait3A_26, %dma_wait3A_27] : memref<32x40x128xi32, #tpu.memory_space<hbm>> -> memref<1x40x128xi32, #tpu.memory_space<hbm>>
      %dma_wait3A_29 = tpu.memref_squeeze %dma_wait3A_28 : memref<1x40x128xi32, #tpu.memory_space<hbm>> -> memref<40x128xi32, #tpu.memory_space<hbm>>
      tpu.wait_dma2 semaphore(%run_scoped3A : memref<!tpu.dma_semaphore, #tpu.memory_space<semaphore_mem>>) src(%dma_wait3A_29 : memref<40x128xi32, #tpu.memory_space<hbm>>) dst(%arg6 : memref<40x128xi32, #tpu.memory_space<vmem>>)
      tpu.yield
    }) : () -> ()
    %mul3A_5 = arith.constant 5120 : i32
    %mul3A_6 = arith.muli %add3A, %mul3A_5 : i32
    "tpu.region"() ({
      %run_scoped3A = tpu.sem_alloc : memref<!tpu.dma_semaphore, #tpu.memory_space<semaphore_mem>>
      %dma_start3A = arith.constant 0 : i32
      %dma_start3A_16 = tpu.memref_slice %arg2[%mul3A_6, %dma_start3A] : memref<163840x16xf32, #tpu.memory_space<hbm>> -> memref<5120x16xf32, #tpu.memory_space<hbm>>
      %dma_start3A_17 = arith.constant 0 : i32
      %dma_start3A_18 = tpu.memref_slice %arg2[%mul3A_6, %dma_start3A_17] : memref<163840x16xf32, #tpu.memory_space<hbm>> -> memref<5120x16xf32, #tpu.memory_space<hbm>>
      tpu.enqueue_dma source(%dma_start3A_18 : memref<5120x16xf32, #tpu.memory_space<hbm>>) target(%arg7 : memref<5120x16xf32, #tpu.memory_space<vmem>>) target_semaphore(%run_scoped3A : memref<!tpu.dma_semaphore, #tpu.memory_space<semaphore_mem>>)
      %dma_wait3A = arith.constant 0 : i32
      %dma_wait3A_19 = tpu.memref_slice %arg2[%mul3A_6, %dma_wait3A] : memref<163840x16xf32, #tpu.memory_space<hbm>> -> memref<5120x16xf32, #tpu.memory_space<hbm>>
      %dma_wait3A_20 = arith.constant 0 : i32
      %dma_wait3A_21 = tpu.memref_slice %arg2[%mul3A_6, %dma_wait3A_20] : memref<163840x16xf32, #tpu.memory_space<hbm>> -> memref<5120x16xf32, #tpu.memory_space<hbm>>
      tpu.wait_dma2 semaphore(%run_scoped3A : memref<!tpu.dma_semaphore, #tpu.memory_space<semaphore_mem>>) src(%dma_wait3A_21 : memref<5120x16xf32, #tpu.memory_space<hbm>>) dst(%arg7 : memref<5120x16xf32, #tpu.memory_space<vmem>>)
      tpu.yield
    }) : () -> ()
    %barrier3A = arith.constant 0 : index
    tpu.barrier barrier_id(%barrier3A)
    %scan3A = arith.constant 0 : i32
    %scan3A_7 = arith.constant 40 : i32
    %scan3A_8 = arith.addi %scan3A, %scan3A_7 : i32
    %scan3A_9 = arith.constant 1 : i32
    scf.for %scan3A_16 = %scan3A to %scan3A_8 step %scan3A_9  : i32 {
      %mul3A_17 = arith.constant 1 : i32
      %mul3A_18 = arith.muli %scan3A_16, %mul3A_17 : i32
      %add3A_19 = arith.constant 0 : i32
      %add3A_20 = arith.addi %add3A_19, %mul3A_18 : i32
      %mul3A_21 = arith.constant 128 : i32
      %mul3A_22 = arith.muli %add3A_20, %mul3A_21 : i32
      "tpu.region"() ({
        %run_scoped3A = tpu.sem_alloc : memref<!tpu.dma_semaphore, #tpu.memory_space<semaphore_mem>>
        %dma_start3A = arith.constant 0 : i32
        %dma_start3A_23 = tpu.memref_slice %arg7[%mul3A_22, %dma_start3A] : memref<5120x16xf32, #tpu.memory_space<vmem>> -> memref<128x16xf32, #tpu.memory_space<vmem>>
        %dma_start3A_24 = arith.constant 0 : i32
        %dma_start3A_25 = tpu.memref_slice %arg6[%add3A_20, %dma_start3A_24] : memref<40x128xi32, #tpu.memory_space<vmem>> -> memref<1x128xi32, #tpu.memory_space<vmem>>
        %dma_start3A_26 = tpu.memref_squeeze %dma_start3A_25 : memref<1x128xi32, #tpu.memory_space<vmem>> -> memref<128xi32, #tpu.memory_space<vmem>>
        %dma_start3A_27 = arith.constant 0 : i32
        %dma_start3A_28 = arith.constant 0 : i32
        %dma_start3A_29 = tpu.memref_slice %arg8[%dma_start3A_27, %dma_start3A_28] : memref<10016x16xf32, #tpu.memory_space<vmem_shared>> -> memref<10016x16xf32, #tpu.memory_space<vmem_shared>>
        tpu.enqueue_indirect_dma source(%dma_start3A_23 : memref<128x16xf32, #tpu.memory_space<vmem>>) target(%dma_start3A_29 : memref<10016x16xf32, #tpu.memory_space<vmem_shared>>) offsets(%dma_start3A_26 : memref<128xi32, #tpu.memory_space<vmem>>) semaphore(%run_scoped3A : memref<!tpu.dma_semaphore, #tpu.memory_space<semaphore_mem>>) {add = true}
        %dma_wait3A = arith.constant 0 : i32
        %dma_wait3A_30 = tpu.memref_slice %arg7[%mul3A_22, %dma_wait3A] : memref<5120x16xf32, #tpu.memory_space<vmem>> -> memref<128x16xf32, #tpu.memory_space<vmem>>
        %dma_wait3A_31 = arith.constant 0 : i32
        %dma_wait3A_32 = tpu.memref_slice %arg6[%add3A_20, %dma_wait3A_31] : memref<40x128xi32, #tpu.memory_space<vmem>> -> memref<1x128xi32, #tpu.memory_space<vmem>>
        %dma_wait3A_33 = tpu.memref_squeeze %dma_wait3A_32 : memref<1x128xi32, #tpu.memory_space<vmem>> -> memref<128xi32, #tpu.memory_space<vmem>>
        %dma_wait3A_34 = arith.constant 0 : i32
        %dma_wait3A_35 = arith.constant 0 : i32
        %dma_wait3A_36 = tpu.memref_slice %arg8[%dma_wait3A_34, %dma_wait3A_35] : memref<10016x16xf32, #tpu.memory_space<vmem_shared>> -> memref<10016x16xf32, #tpu.memory_space<vmem_shared>>
        tpu.wait_indirect_dma semaphore(%run_scoped3A : memref<!tpu.dma_semaphore, #tpu.memory_space<semaphore_mem>>) src(%dma_wait3A_30 : memref<128x16xf32, #tpu.memory_space<vmem>>) dst(%dma_wait3A_36 : memref<10016x16xf32, #tpu.memory_space<vmem_shared>>)
        tpu.yield
      }) : () -> ()
    }
    %scan3A_10 = arith.constant 40 : i32
    %barrier3A_11 = arith.constant 0 : index
    tpu.barrier barrier_id(%barrier3A_11)
    %mul3A_12 = arith.constant 626 : i32
    %mul3A_13 = arith.muli %arg1, %mul3A_12 : i32
    %mul3A_14 = arith.constant 626 : i32
    %mul3A_15 = arith.muli %arg1, %mul3A_14 : i32
    "tpu.region"() ({
      %run_scoped3A = tpu.sem_alloc : memref<!tpu.dma_semaphore, #tpu.memory_space<semaphore_mem>>
      %dma_start3A = arith.constant 0 : i32
      %dma_start3A_16 = arith.constant 0 : i32
      %dma_start3A_17 = tpu.memref_slice %arg5[%arg0, %dma_start3A, %dma_start3A_16] : memref<2x10016x16xf32, #tpu.memory_space<hbm>> -> memref<1x10016x16xf32, #tpu.memory_space<hbm>>
      %dma_start3A_18 = tpu.memref_squeeze %dma_start3A_17 : memref<1x10016x16xf32, #tpu.memory_space<hbm>> -> memref<10016x16xf32, #tpu.memory_space<hbm>>
      %dma_start3A_19 = arith.constant 0 : i32
      %dma_start3A_20 = tpu.memref_slice %dma_start3A_18[%mul3A_15, %dma_start3A_19] : memref<10016x16xf32, #tpu.memory_space<hbm>> -> memref<626x16xf32, #tpu.memory_space<hbm>>
      %dma_start3A_21 = arith.constant 0 : i32
      %dma_start3A_22 = tpu.memref_slice %arg8[%mul3A_13, %dma_start3A_21] : memref<10016x16xf32, #tpu.memory_space<vmem_shared>> -> memref<626x16xf32, #tpu.memory_space<vmem_shared>>
      tpu.enqueue_dma source(%dma_start3A_22 : memref<626x16xf32, #tpu.memory_space<vmem_shared>>) target(%dma_start3A_20 : memref<626x16xf32, #tpu.memory_space<hbm>>) target_semaphore(%run_scoped3A : memref<!tpu.dma_semaphore, #tpu.memory_space<semaphore_mem>>)
      %dma_wait3A = arith.constant 0 : i32
      %dma_wait3A_23 = arith.constant 0 : i32
      %dma_wait3A_24 = tpu.memref_slice %arg5[%arg0, %dma_wait3A, %dma_wait3A_23] : memref<2x10016x16xf32, #tpu.memory_space<hbm>> -> memref<1x10016x16xf32, #tpu.memory_space<hbm>>
      %dma_wait3A_25 = tpu.memref_squeeze %dma_wait3A_24 : memref<1x10016x16xf32, #tpu.memory_space<hbm>> -> memref<10016x16xf32, #tpu.memory_space<hbm>>
      %dma_wait3A_26 = arith.constant 0 : i32
      %dma_wait3A_27 = tpu.memref_slice %dma_wait3A_25[%mul3A_15, %dma_wait3A_26] : memref<10016x16xf32, #tpu.memory_space<hbm>> -> memref<626x16xf32, #tpu.memory_space<hbm>>
      %dma_wait3A_28 = arith.constant 0 : i32
      %dma_wait3A_29 = tpu.memref_slice %arg8[%mul3A_13, %dma_wait3A_28] : memref<10016x16xf32, #tpu.memory_space<vmem_shared>> -> memref<626x16xf32, #tpu.memory_space<vmem_shared>>
      tpu.wait_dma2 semaphore(%run_scoped3A : memref<!tpu.dma_semaphore, #tpu.memory_space<semaphore_mem>>) src(%dma_wait3A_29 : memref<626x16xf32, #tpu.memory_space<vmem_shared>>) dst(%dma_wait3A_27 : memref<626x16xf32, #tpu.memory_space<hbm>>)
      tpu.yield
    }) : () -> ()
    return
  }
}

#map = affine_map<(d0, d1) -> (0, 0)>
#map1 = affine_map<(d0, d1) -> (0, 0, 0)>
module attributes {stable_mosaic.version = 14 : i64} {
  func.func @_scatter_body(%arg0: i32, %arg1: i32, %arg2: memref<163840x16xf32, #tpu.memory_space<hbm>>, %arg3: memref<32x40x128xi32, #tpu.memory_space<hbm>>, %arg4: memref<10016x16xf32, #tpu.memory_space<hbm>>, %arg5: memref<2x10016x16xf32, #tpu.memory_space<hbm>>, %arg6: memref<40x128xi32, #tpu.memory_space<vmem>>, %arg7: memref<5120x16xf32, #tpu.memory_space<vmem>>, %arg8: memref<10016x16xf32, #tpu.memory_space<vmem_shared>>, %arg9: memref<!tpu.dma_semaphore, #tpu.memory_space<semaphore_mem>>) attributes {dimension_semantics = [#tpu.dimension_semantics<core_parallel>, #tpu.dimension_semantics<subcore_parallel>], iteration_bounds = array<i64: 2, 16>, scalar_prefetch = 0 : i64, scratch_operands = 4 : i64, tpu.core_type = #tpu.core_type<sc_vector_subcore>, window_params = [{transform_indices = #map}, {transform_indices = #map1}, {transform_indices = #map}, {transform_indices = #map1}]} {
    %mul3A = arith.constant 16 : i32
    %mul3A_0 = arith.muli %arg0, %mul3A : i32
    %add3A = arith.addi %mul3A_0, %arg1 : i32
    %mul3A_1 = arith.constant 626 : i32
    %mul3A_2 = arith.muli %arg1, %mul3A_1 : i32
    %mul3A_3 = arith.constant 626 : i32
    %mul3A_4 = arith.muli %arg1, %mul3A_3 : i32
    "tpu.region"() ({
      %run_scoped3A = tpu.sem_alloc : memref<!tpu.dma_semaphore, #tpu.memory_space<semaphore_mem>>
      %dma_start3A = arith.constant 0 : i32
      %dma_start3A_16 = tpu.memref_slice %arg8[%mul3A_4, %dma_start3A] : memref<10016x16xf32, #tpu.memory_space<vmem_shared>> -> memref<626x16xf32, #tpu.memory_space<vmem_shared>>
      %dma_start3A_17 = arith.constant 0 : i32
      %dma_start3A_18 = tpu.memref_slice %arg4[%mul3A_2, %dma_start3A_17] : memref<10016x16xf32, #tpu.memory_space<hbm>> -> memref<626x16xf32, #tpu.memory_space<hbm>>
      tpu.enqueue_dma source(%dma_start3A_18 : memref<626x16xf32, #tpu.memory_space<hbm>>) target(%dma_start3A_16 : memref<626x16xf32, #tpu.memory_space<vmem_shared>>) target_semaphore(%run_scoped3A : memref<!tpu.dma_semaphore, #tpu.memory_space<semaphore_mem>>)
      %dma_wait3A = arith.constant 0 : i32
      %dma_wait3A_19 = tpu.memref_slice %arg8[%mul3A_4, %dma_wait3A] : memref<10016x16xf32, #tpu.memory_space<vmem_shared>> -> memref<626x16xf32, #tpu.memory_space<vmem_shared>>
      %dma_wait3A_20 = arith.constant 0 : i32
      %dma_wait3A_21 = tpu.memref_slice %arg4[%mul3A_2, %dma_wait3A_20] : memref<10016x16xf32, #tpu.memory_space<hbm>> -> memref<626x16xf32, #tpu.memory_space<hbm>>
      tpu.wait_dma2 semaphore(%run_scoped3A : memref<!tpu.dma_semaphore, #tpu.memory_space<semaphore_mem>>) src(%dma_wait3A_21 : memref<626x16xf32, #tpu.memory_space<hbm>>) dst(%dma_wait3A_19 : memref<626x16xf32, #tpu.memory_space<vmem_shared>>)
      tpu.yield
    }) : () -> ()
    "tpu.region"() ({
      %run_scoped3A = tpu.sem_alloc : memref<!tpu.dma_semaphore, #tpu.memory_space<semaphore_mem>>
      %dma_start3A = arith.constant 0 : i32
      %dma_start3A_16 = arith.constant 0 : i32
      %dma_start3A_17 = tpu.memref_slice %arg3[%add3A, %dma_start3A, %dma_start3A_16] : memref<32x40x128xi32, #tpu.memory_space<hbm>> -> memref<1x40x128xi32, #tpu.memory_space<hbm>>
      %dma_start3A_18 = tpu.memref_squeeze %dma_start3A_17 : memref<1x40x128xi32, #tpu.memory_space<hbm>> -> memref<40x128xi32, #tpu.memory_space<hbm>>
      %dma_start3A_19 = arith.constant 0 : i32
      %dma_start3A_20 = arith.constant 0 : i32
      %dma_start3A_21 = tpu.memref_slice %arg3[%add3A, %dma_start3A_19, %dma_start3A_20] : memref<32x40x128xi32, #tpu.memory_space<hbm>> -> memref<1x40x128xi32, #tpu.memory_space<hbm>>
      %dma_start3A_22 = tpu.memref_squeeze %dma_start3A_21 : memref<1x40x128xi32, #tpu.memory_space<hbm>> -> memref<40x128xi32, #tpu.memory_space<hbm>>
      tpu.enqueue_dma source(%dma_start3A_22 : memref<40x128xi32, #tpu.memory_space<hbm>>) target(%arg6 : memref<40x128xi32, #tpu.memory_space<vmem>>) target_semaphore(%run_scoped3A : memref<!tpu.dma_semaphore, #tpu.memory_space<semaphore_mem>>)
      %dma_wait3A = arith.constant 0 : i32
      %dma_wait3A_23 = arith.constant 0 : i32
      %dma_wait3A_24 = tpu.memref_slice %arg3[%add3A, %dma_wait3A, %dma_wait3A_23] : memref<32x40x128xi32, #tpu.memory_space<hbm>> -> memref<1x40x128xi32, #tpu.memory_space<hbm>>
      %dma_wait3A_25 = tpu.memref_squeeze %dma_wait3A_24 : memref<1x40x128xi32, #tpu.memory_space<hbm>> -> memref<40x128xi32, #tpu.memory_space<hbm>>
      %dma_wait3A_26 = arith.constant 0 : i32
      %dma_wait3A_27 = arith.constant 0 : i32
      %dma_wait3A_28 = tpu.memref_slice %arg3[%add3A, %dma_wait3A_26, %dma_wait3A_27] : memref<32x40x128xi32, #tpu.memory_space<hbm>> -> memref<1x40x128xi32, #tpu.memory_space<hbm>>
      %dma_wait3A_29 = tpu.memref_squeeze %dma_wait3A_28 : memref<1x40x128xi32, #tpu.memory_space<hbm>> -> memref<40x128xi32, #tpu.memory_space<hbm>>
      tpu.wait_dma2 semaphore(%run_scoped3A : memref<!tpu.dma_semaphore, #tpu.memory_space<semaphore_mem>>) src(%dma_wait3A_29 : memref<40x128xi32, #tpu.memory_space<hbm>>) dst(%arg6 : memref<40x128xi32, #tpu.memory_space<vmem>>)
      tpu.yield
    }) : () -> ()
    %mul3A_5 = arith.constant 5120 : i32
    %mul3A_6 = arith.muli %add3A, %mul3A_5 : i32
    "tpu.region"() ({
      %run_scoped3A = tpu.sem_alloc : memref<!tpu.dma_semaphore, #tpu.memory_space<semaphore_mem>>
      %dma_start3A = arith.constant 0 : i32
      %dma_start3A_16 = tpu.memref_slice %arg2[%mul3A_6, %dma_start3A] : memref<163840x16xf32, #tpu.memory_space<hbm>> -> memref<5120x16xf32, #tpu.memory_space<hbm>>
      %dma_start3A_17 = arith.constant 0 : i32
      %dma_start3A_18 = tpu.memref_slice %arg2[%mul3A_6, %dma_start3A_17] : memref<163840x16xf32, #tpu.memory_space<hbm>> -> memref<5120x16xf32, #tpu.memory_space<hbm>>
      tpu.enqueue_dma source(%dma_start3A_18 : memref<5120x16xf32, #tpu.memory_space<hbm>>) target(%arg7 : memref<5120x16xf32, #tpu.memory_space<vmem>>) target_semaphore(%run_scoped3A : memref<!tpu.dma_semaphore, #tpu.memory_space<semaphore_mem>>)
      %dma_wait3A = arith.constant 0 : i32
      %dma_wait3A_19 = tpu.memref_slice %arg2[%mul3A_6, %dma_wait3A] : memref<163840x16xf32, #tpu.memory_space<hbm>> -> memref<5120x16xf32, #tpu.memory_space<hbm>>
      %dma_wait3A_20 = arith.constant 0 : i32
      %dma_wait3A_21 = tpu.memref_slice %arg2[%mul3A_6, %dma_wait3A_20] : memref<163840x16xf32, #tpu.memory_space<hbm>> -> memref<5120x16xf32, #tpu.memory_space<hbm>>
      tpu.wait_dma2 semaphore(%run_scoped3A : memref<!tpu.dma_semaphore, #tpu.memory_space<semaphore_mem>>) src(%dma_wait3A_21 : memref<5120x16xf32, #tpu.memory_space<hbm>>) dst(%arg7 : memref<5120x16xf32, #tpu.memory_space<vmem>>)
      tpu.yield
    }) : () -> ()
    %barrier3A = arith.constant 0 : index
    tpu.barrier barrier_id(%barrier3A)
    %scan3A = arith.constant 0 : i32
    %scan3A_7 = arith.constant 40 : i32
    %scan3A_8 = arith.addi %scan3A, %scan3A_7 : i32
    %scan3A_9 = arith.constant 1 : i32
    scf.for %scan3A_16 = %scan3A to %scan3A_8 step %scan3A_9  : i32 {
      %mul3A_17 = arith.constant 1 : i32
      %mul3A_18 = arith.muli %scan3A_16, %mul3A_17 : i32
      %add3A_19 = arith.constant 0 : i32
      %add3A_20 = arith.addi %add3A_19, %mul3A_18 : i32
      %mul3A_21 = arith.constant 128 : i32
      %mul3A_22 = arith.muli %add3A_20, %mul3A_21 : i32
      "tpu.region"() ({
        %run_scoped3A = tpu.sem_alloc : memref<!tpu.dma_semaphore, #tpu.memory_space<semaphore_mem>>
        %dma_start3A = arith.constant 0 : i32
        %dma_start3A_23 = tpu.memref_slice %arg7[%mul3A_22, %dma_start3A] : memref<5120x16xf32, #tpu.memory_space<vmem>> -> memref<128x16xf32, #tpu.memory_space<vmem>>
        %dma_start3A_24 = arith.constant 0 : i32
        %dma_start3A_25 = tpu.memref_slice %arg6[%add3A_20, %dma_start3A_24] : memref<40x128xi32, #tpu.memory_space<vmem>> -> memref<1x128xi32, #tpu.memory_space<vmem>>
        %dma_start3A_26 = tpu.memref_squeeze %dma_start3A_25 : memref<1x128xi32, #tpu.memory_space<vmem>> -> memref<128xi32, #tpu.memory_space<vmem>>
        %dma_start3A_27 = arith.constant 0 : i32
        %dma_start3A_28 = arith.constant 0 : i32
        %dma_start3A_29 = tpu.memref_slice %arg8[%dma_start3A_27, %dma_start3A_28] : memref<10016x16xf32, #tpu.memory_space<vmem_shared>> -> memref<10016x16xf32, #tpu.memory_space<vmem_shared>>
        tpu.enqueue_indirect_dma source(%dma_start3A_23 : memref<128x16xf32, #tpu.memory_space<vmem>>) target(%dma_start3A_29 : memref<10016x16xf32, #tpu.memory_space<vmem_shared>>) offsets(%dma_start3A_26 : memref<128xi32, #tpu.memory_space<vmem>>) semaphore(%run_scoped3A : memref<!tpu.dma_semaphore, #tpu.memory_space<semaphore_mem>>) {add = true}
        %dma_wait3A = arith.constant 0 : i32
        %dma_wait3A_30 = tpu.memref_slice %arg7[%mul3A_22, %dma_wait3A] : memref<5120x16xf32, #tpu.memory_space<vmem>> -> memref<128x16xf32, #tpu.memory_space<vmem>>
        %dma_wait3A_31 = arith.constant 0 : i32
        %dma_wait3A_32 = tpu.memref_slice %arg6[%add3A_20, %dma_wait3A_31] : memref<40x128xi32, #tpu.memory_space<vmem>> -> memref<1x128xi32, #tpu.memory_space<vmem>>
        %dma_wait3A_33 = tpu.memref_squeeze %dma_wait3A_32 : memref<1x128xi32, #tpu.memory_space<vmem>> -> memref<128xi32, #tpu.memory_space<vmem>>
        %dma_wait3A_34 = arith.constant 0 : i32
        %dma_wait3A_35 = arith.constant 0 : i32
        %dma_wait3A_36 = tpu.memref_slice %arg8[%dma_wait3A_34, %dma_wait3A_35] : memref<10016x16xf32, #tpu.memory_space<vmem_shared>> -> memref<10016x16xf32, #tpu.memory_space<vmem_shared>>
        tpu.wait_indirect_dma semaphore(%run_scoped3A : memref<!tpu.dma_semaphore, #tpu.memory_space<semaphore_mem>>) src(%dma_wait3A_30 : memref<128x16xf32, #tpu.memory_space<vmem>>) dst(%dma_wait3A_36 : memref<10016x16xf32, #tpu.memory_space<vmem_shared>>)
        tpu.yield
      }) : () -> ()
    }
    %scan3A_10 = arith.constant 40 : i32
    %barrier3A_11 = arith.constant 0 : index
    tpu.barrier barrier_id(%barrier3A_11)
    %mul3A_12 = arith.constant 626 : i32
    %mul3A_13 = arith.muli %arg1, %mul3A_12 : i32
    %mul3A_14 = arith.constant 626 : i32
    %mul3A_15 = arith.muli %arg1, %mul3A_14 : i32
    "tpu.region"() ({
      %run_scoped3A = tpu.sem_alloc : memref<!tpu.dma_semaphore, #tpu.memory_space<semaphore_mem>>
      %dma_start3A = arith.constant 0 : i32
      %dma_start3A_16 = arith.constant 0 : i32
      %dma_start3A_17 = tpu.memref_slice %arg5[%arg0, %dma_start3A, %dma_start3A_16] : memref<2x10016x16xf32, #tpu.memory_space<hbm>> -> memref<1x10016x16xf32, #tpu.memory_space<hbm>>
      %dma_start3A_18 = tpu.memref_squeeze %dma_start3A_17 : memref<1x10016x16xf32, #tpu.memory_space<hbm>> -> memref<10016x16xf32, #tpu.memory_space<hbm>>
      %dma_start3A_19 = arith.constant 0 : i32
      %dma_start3A_20 = tpu.memref_slice %dma_start3A_18[%mul3A_15, %dma_start3A_19] : memref<10016x16xf32, #tpu.memory_space<hbm>> -> memref<626x16xf32, #tpu.memory_space<hbm>>
      %dma_start3A_21 = arith.constant 0 : i32
      %dma_start3A_22 = tpu.memref_slice %arg8[%mul3A_13, %dma_start3A_21] : memref<10016x16xf32, #tpu.memory_space<vmem_shared>> -> memref<626x16xf32, #tpu.memory_space<vmem_shared>>
      tpu.enqueue_dma source(%dma_start3A_22 : memref<626x16xf32, #tpu.memory_space<vmem_shared>>) target(%dma_start3A_20 : memref<626x16xf32, #tpu.memory_space<hbm>>) target_semaphore(%run_scoped3A : memref<!tpu.dma_semaphore, #tpu.memory_space<semaphore_mem>>)
      %dma_wait3A = arith.constant 0 : i32
      %dma_wait3A_23 = arith.constant 0 : i32
      %dma_wait3A_24 = tpu.memref_slice %arg5[%arg0, %dma_wait3A, %dma_wait3A_23] : memref<2x10016x16xf32, #tpu.memory_space<hbm>> -> memref<1x10016x16xf32, #tpu.memory_space<hbm>>
      %dma_wait3A_25 = tpu.memref_squeeze %dma_wait3A_24 : memref<1x10016x16xf32, #tpu.memory_space<hbm>> -> memref<10016x16xf32, #tpu.memory_space<hbm>>
      %dma_wait3A_26 = arith.constant 0 : i32
      %dma_wait3A_27 = tpu.memref_slice %dma_wait3A_25[%mul3A_15, %dma_wait3A_26] : memref<10016x16xf32, #tpu.memory_space<hbm>> -> memref<626x16xf32, #tpu.memory_space<hbm>>
      %dma_wait3A_28 = arith.constant 0 : i32
      %dma_wait3A_29 = tpu.memref_slice %arg8[%mul3A_13, %dma_wait3A_28] : memref<10016x16xf32, #tpu.memory_space<vmem_shared>> -> memref<626x16xf32, #tpu.memory_space<vmem_shared>>
      tpu.wait_dma2 semaphore(%run_scoped3A : memref<!tpu.dma_semaphore, #tpu.memory_space<semaphore_mem>>) src(%dma_wait3A_29 : memref<626x16xf32, #tpu.memory_space<vmem_shared>>) dst(%dma_wait3A_27 : memref<626x16xf32, #tpu.memory_space<hbm>>)
      tpu.yield
    }) : () -> ()
    return
  }
}

#map = affine_map<(d0, d1) -> (0, 0)>
#map1 = affine_map<(d0, d1) -> (0, 0, 0)>
module attributes {stable_mosaic.version = 14 : i64} {
  func.func @_gather_body(%arg0: i32, %arg1: i32, %arg2: memref<10000x16xf32, #tpu.memory_space<hbm>>, %arg3: memref<32x40x128xi32, #tpu.memory_space<hbm>>, %arg4: memref<163840x16xf32, #tpu.memory_space<hbm>>, %arg5: memref<40x128xi32, #tpu.memory_space<vmem>>, %arg6: memref<5120x16xf32, #tpu.memory_space<vmem>>, %arg7: memref<10000x16xf32, #tpu.memory_space<vmem_shared>>, %arg8: memref<!tpu.dma_semaphore, #tpu.memory_space<semaphore_mem>>) attributes {dimension_semantics = [#tpu.dimension_semantics<core_parallel>, #tpu.dimension_semantics<subcore_parallel>], iteration_bounds = array<i64: 2, 16>, scalar_prefetch = 0 : i64, scratch_operands = 4 : i64, tpu.core_type = #tpu.core_type<sc_vector_subcore>, window_params = [{transform_indices = #map}, {transform_indices = #map1}, {transform_indices = #map}]} {
    %mul3A = arith.constant 16 : i32
    %mul3A_0 = arith.muli %arg0, %mul3A : i32
    %add3A = arith.addi %mul3A_0, %arg1 : i32
    %mul3A_1 = arith.constant 625 : i32
    %mul3A_2 = arith.muli %arg1, %mul3A_1 : i32
    %mul3A_3 = arith.constant 625 : i32
    %mul3A_4 = arith.muli %arg1, %mul3A_3 : i32
    "tpu.region"() ({
      %run_scoped3A = tpu.sem_alloc : memref<!tpu.dma_semaphore, #tpu.memory_space<semaphore_mem>>
      %dma_start3A = arith.constant 0 : i32
      %dma_start3A_16 = tpu.memref_slice %arg7[%mul3A_4, %dma_start3A] : memref<10000x16xf32, #tpu.memory_space<vmem_shared>> -> memref<625x16xf32, #tpu.memory_space<vmem_shared>>
      %dma_start3A_17 = arith.constant 0 : i32
      %dma_start3A_18 = tpu.memref_slice %arg2[%mul3A_2, %dma_start3A_17] : memref<10000x16xf32, #tpu.memory_space<hbm>> -> memref<625x16xf32, #tpu.memory_space<hbm>>
      tpu.enqueue_dma source(%dma_start3A_18 : memref<625x16xf32, #tpu.memory_space<hbm>>) target(%dma_start3A_16 : memref<625x16xf32, #tpu.memory_space<vmem_shared>>) target_semaphore(%run_scoped3A : memref<!tpu.dma_semaphore, #tpu.memory_space<semaphore_mem>>)
      %dma_wait3A = arith.constant 0 : i32
      %dma_wait3A_19 = tpu.memref_slice %arg7[%mul3A_4, %dma_wait3A] : memref<10000x16xf32, #tpu.memory_space<vmem_shared>> -> memref<625x16xf32, #tpu.memory_space<vmem_shared>>
      %dma_wait3A_20 = arith.constant 0 : i32
      %dma_wait3A_21 = tpu.memref_slice %arg2[%mul3A_2, %dma_wait3A_20] : memref<10000x16xf32, #tpu.memory_space<hbm>> -> memref<625x16xf32, #tpu.memory_space<hbm>>
      tpu.wait_dma2 semaphore(%run_scoped3A : memref<!tpu.dma_semaphore, #tpu.memory_space<semaphore_mem>>) src(%dma_wait3A_21 : memref<625x16xf32, #tpu.memory_space<hbm>>) dst(%dma_wait3A_19 : memref<625x16xf32, #tpu.memory_space<vmem_shared>>)
      tpu.yield
    }) : () -> ()
    "tpu.region"() ({
      %run_scoped3A = tpu.sem_alloc : memref<!tpu.dma_semaphore, #tpu.memory_space<semaphore_mem>>
      %dma_start3A = arith.constant 0 : i32
      %dma_start3A_16 = arith.constant 0 : i32
      %dma_start3A_17 = tpu.memref_slice %arg3[%add3A, %dma_start3A, %dma_start3A_16] : memref<32x40x128xi32, #tpu.memory_space<hbm>> -> memref<1x40x128xi32, #tpu.memory_space<hbm>>
      %dma_start3A_18 = tpu.memref_squeeze %dma_start3A_17 : memref<1x40x128xi32, #tpu.memory_space<hbm>> -> memref<40x128xi32, #tpu.memory_space<hbm>>
      %dma_start3A_19 = arith.constant 0 : i32
      %dma_start3A_20 = arith.constant 0 : i32
      %dma_start3A_21 = tpu.memref_slice %arg3[%add3A, %dma_start3A_19, %dma_start3A_20] : memref<32x40x128xi32, #tpu.memory_space<hbm>> -> memref<1x40x128xi32, #tpu.memory_space<hbm>>
      %dma_start3A_22 = tpu.memref_squeeze %dma_start3A_21 : memref<1x40x128xi32, #tpu.memory_space<hbm>> -> memref<40x128xi32, #tpu.memory_space<hbm>>
      tpu.enqueue_dma source(%dma_start3A_22 : memref<40x128xi32, #tpu.memory_space<hbm>>) target(%arg5 : memref<40x128xi32, #tpu.memory_space<vmem>>) target_semaphore(%run_scoped3A : memref<!tpu.dma_semaphore, #tpu.memory_space<semaphore_mem>>)
      %dma_wait3A = arith.constant 0 : i32
      %dma_wait3A_23 = arith.constant 0 : i32
      %dma_wait3A_24 = tpu.memref_slice %arg3[%add3A, %dma_wait3A, %dma_wait3A_23] : memref<32x40x128xi32, #tpu.memory_space<hbm>> -> memref<1x40x128xi32, #tpu.memory_space<hbm>>
      %dma_wait3A_25 = tpu.memref_squeeze %dma_wait3A_24 : memref<1x40x128xi32, #tpu.memory_space<hbm>> -> memref<40x128xi32, #tpu.memory_space<hbm>>
      %dma_wait3A_26 = arith.constant 0 : i32
      %dma_wait3A_27 = arith.constant 0 : i32
      %dma_wait3A_28 = tpu.memref_slice %arg3[%add3A, %dma_wait3A_26, %dma_wait3A_27] : memref<32x40x128xi32, #tpu.memory_space<hbm>> -> memref<1x40x128xi32, #tpu.memory_space<hbm>>
      %dma_wait3A_29 = tpu.memref_squeeze %dma_wait3A_28 : memref<1x40x128xi32, #tpu.memory_space<hbm>> -> memref<40x128xi32, #tpu.memory_space<hbm>>
      tpu.wait_dma2 semaphore(%run_scoped3A : memref<!tpu.dma_semaphore, #tpu.memory_space<semaphore_mem>>) src(%dma_wait3A_29 : memref<40x128xi32, #tpu.memory_space<hbm>>) dst(%arg5 : memref<40x128xi32, #tpu.memory_space<vmem>>)
      tpu.yield
    }) : () -> ()
    %barrier3A = arith.constant 0 : index
    tpu.barrier barrier_id(%barrier3A)
    %scan3A = arith.constant 0 : i32
    %scan3A_5 = arith.constant 40 : i32
    %scan3A_6 = arith.addi %scan3A, %scan3A_5 : i32
    %scan3A_7 = arith.constant 1 : i32
    scf.for %scan3A_16 = %scan3A to %scan3A_6 step %scan3A_7  : i32 {
      %mul3A_17 = arith.constant 1 : i32
      %mul3A_18 = arith.muli %scan3A_16, %mul3A_17 : i32
      %add3A_19 = arith.constant 0 : i32
      %add3A_20 = arith.addi %add3A_19, %mul3A_18 : i32
      %mul3A_21 = arith.constant 128 : i32
      %mul3A_22 = arith.muli %add3A_20, %mul3A_21 : i32
      %dma_start3A = arith.constant 0 : i32
      %dma_start3A_23 = tpu.memref_slice %arg6[%mul3A_22, %dma_start3A] : memref<5120x16xf32, #tpu.memory_space<vmem>> -> memref<128x16xf32, #tpu.memory_space<vmem>>
      %dma_start3A_24 = arith.constant 0 : i32
      %dma_start3A_25 = tpu.memref_slice %arg5[%add3A_20, %dma_start3A_24] : memref<40x128xi32, #tpu.memory_space<vmem>> -> memref<1x128xi32, #tpu.memory_space<vmem>>
      %dma_start3A_26 = tpu.memref_squeeze %dma_start3A_25 : memref<1x128xi32, #tpu.memory_space<vmem>> -> memref<128xi32, #tpu.memory_space<vmem>>
      %dma_start3A_27 = arith.constant 0 : i32
      %dma_start3A_28 = arith.constant 0 : i32
      %dma_start3A_29 = tpu.memref_slice %arg7[%dma_start3A_27, %dma_start3A_28] : memref<10000x16xf32, #tpu.memory_space<vmem_shared>> -> memref<10000x16xf32, #tpu.memory_space<vmem_shared>>
      tpu.enqueue_indirect_dma source(%dma_start3A_29 : memref<10000x16xf32, #tpu.memory_space<vmem_shared>>) target(%dma_start3A_23 : memref<128x16xf32, #tpu.memory_space<vmem>>) offsets(%dma_start3A_26 : memref<128xi32, #tpu.memory_space<vmem>>) semaphore(%arg8 : memref<!tpu.dma_semaphore, #tpu.memory_space<semaphore_mem>>)
    }
    %scan3A_8 = arith.constant 40 : i32
    %scan3A_9 = arith.constant 0 : i32
    %scan3A_10 = arith.constant 40 : i32
    %scan3A_11 = arith.addi %scan3A_9, %scan3A_10 : i32
    %scan3A_12 = arith.constant 1 : i32
    scf.for %scan3A_16 = %scan3A_9 to %scan3A_11 step %scan3A_12  : i32 {
      %mul3A_17 = arith.constant 1 : i32
      %mul3A_18 = arith.muli %scan3A_16, %mul3A_17 : i32
      %add3A_19 = arith.constant 0 : i32
      %add3A_20 = arith.addi %add3A_19, %mul3A_18 : i32
      %dma_wait3A = arith.constant 0 : i32
      %dma_wait3A_21 = arith.constant 0 : i32
      %dma_wait3A_22 = tpu.memref_slice %arg6[%dma_wait3A, %dma_wait3A_21] : memref<5120x16xf32, #tpu.memory_space<vmem>> -> memref<128x16xf32, #tpu.memory_space<vmem>>
      %dma_wait3A_23 = arith.constant 0 : i32
      %dma_wait3A_24 = arith.constant 0 : i32
      %dma_wait3A_25 = tpu.memref_slice %arg2[%dma_wait3A_23, %dma_wait3A_24] : memref<10000x16xf32, #tpu.memory_space<hbm>> -> memref<128x16xf32, #tpu.memory_space<hbm>>
      %dma_wait3A_26 = arith.constant 0 : i32
      %dma_wait3A_27 = arith.constant 0 : i32
      %dma_wait3A_28 = tpu.memref_slice %arg6[%dma_wait3A_26, %dma_wait3A_27] : memref<5120x16xf32, #tpu.memory_space<vmem>> -> memref<128x16xf32, #tpu.memory_space<vmem>>
      %dma_wait3A_29 = arith.constant 0 : i32
      %dma_wait3A_30 = arith.constant 0 : i32
      %dma_wait3A_31 = tpu.memref_slice %arg2[%dma_wait3A_29, %dma_wait3A_30] : memref<10000x16xf32, #tpu.memory_space<hbm>> -> memref<128x16xf32, #tpu.memory_space<hbm>>
      tpu.wait_dma2 semaphore(%arg8 : memref<!tpu.dma_semaphore, #tpu.memory_space<semaphore_mem>>) src(%dma_wait3A_31 : memref<128x16xf32, #tpu.memory_space<hbm>>) dst(%dma_wait3A_28 : memref<128x16xf32, #tpu.memory_space<vmem>>)
    }
    %scan3A_13 = arith.constant 40 : i32
    %mul3A_14 = arith.constant 5120 : i32
    %mul3A_15 = arith.muli %add3A, %mul3A_14 : i32
    "tpu.region"() ({
      %run_scoped3A = tpu.sem_alloc : memref<!tpu.dma_semaphore, #tpu.memory_space<semaphore_mem>>
      %dma_start3A = arith.constant 0 : i32
      %dma_start3A_16 = tpu.memref_slice %arg4[%mul3A_15, %dma_start3A] : memref<163840x16xf32, #tpu.memory_space<hbm>> -> memref<5120x16xf32, #tpu.memory_space<hbm>>
      %dma_start3A_17 = arith.constant 0 : i32
      %dma_start3A_18 = tpu.memref_slice %arg4[%mul3A_15, %dma_start3A_17] : memref<163840x16xf32, #tpu.memory_space<hbm>> -> memref<5120x16xf32, #tpu.memory_space<hbm>>
      tpu.enqueue_dma source(%arg6 : memref<5120x16xf32, #tpu.memory_space<vmem>>) target(%dma_start3A_18 : memref<5120x16xf32, #tpu.memory_space<hbm>>) target_semaphore(%run_scoped3A : memref<!tpu.dma_semaphore, #tpu.memory_space<semaphore_mem>>)
      %dma_wait3A = arith.constant 0 : i32
      %dma_wait3A_19 = tpu.memref_slice %arg4[%mul3A_15, %dma_wait3A] : memref<163840x16xf32, #tpu.memory_space<hbm>> -> memref<5120x16xf32, #tpu.memory_space<hbm>>
      %dma_wait3A_20 = arith.constant 0 : i32
      %dma_wait3A_21 = tpu.memref_slice %arg4[%mul3A_15, %dma_wait3A_20] : memref<163840x16xf32, #tpu.memory_space<hbm>> -> memref<5120x16xf32, #tpu.memory_space<hbm>>
      tpu.wait_dma2 semaphore(%run_scoped3A : memref<!tpu.dma_semaphore, #tpu.memory_space<semaphore_mem>>) src(%arg6 : memref<5120x16xf32, #tpu.memory_space<vmem>>) dst(%dma_wait3A_21 : memref<5120x16xf32, #tpu.memory_space<hbm>>)
      tpu.yield
    }) : () -> ()
    return
  }
}

module attributes {stable_mosaic.version = 14 : i64} {
  func.func @_mlp_body(%arg0: i32, %arg1: memref<1024x32xf32, #tpu.memory_space<vmem>>, %arg2: memref<32x256xf32, #tpu.memory_space<vmem>>, %arg3: memref<1x256xf32, #tpu.memory_space<vmem>>, %arg4: memref<256x256xf32, #tpu.memory_space<vmem>>, %arg5: memref<1x256xf32, #tpu.memory_space<vmem>>, %arg6: memref<1024x256xf32, #tpu.memory_space<vmem>>) attributes {dimension_semantics = [#tpu.dimension_semantics<arbitrary>], iteration_bounds = array<i64: 20>, scalar_prefetch = 0 : i64, scratch_operands = 0 : i64, tpu.core_type = #tpu.core_type<tc>, window_params = [{transform_indices = @transform_0, window_bounds = array<i64: 1024, 32>}, {pipeline_mode = #tpu.pipeline_mode<synchronous>, transform_indices = @transform_1, window_bounds = array<i64: 32, 256>}, {pipeline_mode = #tpu.pipeline_mode<synchronous>, transform_indices = @transform_2, window_bounds = array<i64: 1, 256>}, {pipeline_mode = #tpu.pipeline_mode<synchronous>, transform_indices = @transform_3, window_bounds = array<i64: 256, 256>}, {pipeline_mode = #tpu.pipeline_mode<synchronous>, transform_indices = @transform_4, window_bounds = array<i64: 1, 256>}, {transform_indices = @transform_5, window_bounds = array<i64: 1024, 256>}]} {
    %get3A = arith.constant 0 : index
    %get3A_0 = arith.constant 0 : index
    %get3A_1 = vector.load %arg1[%get3A, %get3A_0] : memref<1024x32xf32, #tpu.memory_space<vmem>>, vector<1024x32xf32>
    %get3A_2 = arith.constant 0 : index
    %get3A_3 = arith.constant 0 : index
    %get3A_4 = vector.load %arg2[%get3A_2, %get3A_3] : memref<32x256xf32, #tpu.memory_space<vmem>>, vector<32x256xf32>
    %dot_general3A = arith.constant dense<0.000000e+00> : vector<1024x256xf32>
    %dot_general3A_5 = tpu.matmul %get3A_1, %get3A_4, %dot_general3A {dimension_numbers = #tpu.dot_dimension_numbers<[1], [0], [0], [1], [0, 0, 1, 1], [], []>, transpose_lhs_hint = false} : vector<1024x32xf32>, vector<32x256xf32>, vector<1024x256xf32> -> vector<1024x256xf32>
    %get3A_6 = arith.constant 0 : index
    %get3A_7 = arith.constant 0 : index
    %get3A_8 = vector.load %arg3[%get3A_6, %get3A_7] : memref<1x256xf32, #tpu.memory_space<vmem>>, vector<1x256xf32>
    %add3A = vector.broadcast %get3A_8 : vector<1x256xf32> to vector<1024x256xf32>
    %add3A_9 = arith.addf %dot_general3A_5, %add3A : vector<1024x256xf32>
    %mul3A = arith.constant 5.000000e-01 : f32
    %mul3A_10 = vector.broadcast %mul3A : f32 to vector<1024x256xf32>
    %mul3A_11 = arith.mulf %mul3A_10, %add3A_9 : vector<1024x256xf32>
    %mul3A_12 = arith.constant 0.707106769 : f32
    %mul3A_13 = vector.broadcast %mul3A_12 : f32 to vector<1024x256xf32>
    %mul3A_14 = arith.mulf %add3A_9, %mul3A_13 : vector<1024x256xf32>
    %erf3A = math.erf %mul3A_14 : vector<1024x256xf32>
    %add3A_15 = arith.constant 1.000000e+00 : f32
    %add3A_16 = vector.broadcast %add3A_15 : f32 to vector<1024x256xf32>
    %add3A_17 = arith.addf %add3A_16, %erf3A : vector<1024x256xf32>
    %mul3A_18 = arith.mulf %mul3A_11, %add3A_17 : vector<1024x256xf32>
    %get3A_19 = arith.constant 0 : index
    %get3A_20 = arith.constant 0 : index
    %get3A_21 = vector.load %arg4[%get3A_19, %get3A_20] : memref<256x256xf32, #tpu.memory_space<vmem>>, vector<256x256xf32>
    %dot_general3A_22 = arith.constant dense<0.000000e+00> : vector<1024x256xf32>
    %dot_general3A_23 = tpu.matmul %mul3A_18, %get3A_21, %dot_general3A_22 {dimension_numbers = #tpu.dot_dimension_numbers<[1], [0], [0], [1], [0, 0, 1, 1], [], []>, transpose_lhs_hint = false} : vector<1024x256xf32>, vector<256x256xf32>, vector<1024x256xf32> -> vector<1024x256xf32>
    %get3A_24 = arith.constant 0 : index
    %get3A_25 = arith.constant 0 : index
    %get3A_26 = vector.load %arg5[%get3A_24, %get3A_25] : memref<1x256xf32, #tpu.memory_space<vmem>>, vector<1x256xf32>
    %add3A_27 = vector.broadcast %get3A_26 : vector<1x256xf32> to vector<1024x256xf32>
    %add3A_28 = arith.addf %dot_general3A_23, %add3A_27 : vector<1024x256xf32>
    %mul3A_29 = arith.constant 5.000000e-01 : f32
    %mul3A_30 = vector.broadcast %mul3A_29 : f32 to vector<1024x256xf32>
    %mul3A_31 = arith.mulf %mul3A_30, %add3A_28 : vector<1024x256xf32>
    %mul3A_32 = arith.constant 0.707106769 : f32
    %mul3A_33 = vector.broadcast %mul3A_32 : f32 to vector<1024x256xf32>
    %mul3A_34 = arith.mulf %add3A_28, %mul3A_33 : vector<1024x256xf32>
    %erf3A_35 = math.erf %mul3A_34 : vector<1024x256xf32>
    %add3A_36 = arith.constant 1.000000e+00 : f32
    %add3A_37 = vector.broadcast %add3A_36 : f32 to vector<1024x256xf32>
    %add3A_38 = arith.addf %add3A_37, %erf3A_35 : vector<1024x256xf32>
    %mul3A_39 = arith.mulf %mul3A_31, %add3A_38 : vector<1024x256xf32>
    %swap3A = arith.constant 0 : index
    %swap3A_40 = arith.constant 0 : index
    %swap3A_41 = vector.load %arg6[%swap3A, %swap3A_40] : memref<1024x256xf32, #tpu.memory_space<vmem>>, vector<1024x256xf32>
    tpu.vector_store %arg6[%swap3A, %swap3A_40], %mul3A_39 {strides = array<i32>} : memref<1024x256xf32, #tpu.memory_space<vmem>>, vector<1024x256xf32>,
    return
  }
  func.func @transform_0(%arg0: i32) -> (i32, i32) {
    %c0_i32 = arith.constant 0 : i32
    %c0_i32_0 = arith.constant 0 : i32
    return %arg0, %c0_i32 : i32, i32
  }
  func.func @transform_1(%arg0: i32) -> (i32, i32) {
    %c0_i32 = arith.constant 0 : i32
    %c0_i32_0 = arith.constant 0 : i32
    %c0_i32_1 = arith.constant 0 : i32
    return %c0_i32, %c0_i32_0 : i32, i32
  }
  func.func @transform_2(%arg0: i32) -> (i32, i32) {
    %c0_i32 = arith.constant 0 : i32
    %c0_i32_0 = arith.constant 0 : i32
    %c0_i32_1 = arith.constant 0 : i32
    return %c0_i32, %c0_i32_0 : i32, i32
  }
  func.func @transform_3(%arg0: i32) -> (i32, i32) {
    %c0_i32 = arith.constant 0 : i32
    %c0_i32_0 = arith.constant 0 : i32
    %c0_i32_1 = arith.constant 0 : i32
    return %c0_i32, %c0_i32_0 : i32, i32
  }
  func.func @transform_4(%arg0: i32) -> (i32, i32) {
    %c0_i32 = arith.constant 0 : i32
    %c0_i32_0 = arith.constant 0 : i32
    %c0_i32_1 = arith.constant 0 : i32
    return %c0_i32, %c0_i32_0 : i32, i32
  }
  func.func @transform_5(%arg0: i32) -> (i32, i32) {
    %c0_i32 = arith.constant 0 : i32
    %c0_i32_0 = arith.constant 0 : i32
    return %arg0, %c0_i32 : i32, i32
  }
}

module attributes {stable_mosaic.version = 14 : i64} {
  func.func @_msg_body(%arg0: i32, %arg1: memref<1024x128xf32, #tpu.memory_space<vmem>>, %arg2: memref<1024x256xf32, #tpu.memory_space<vmem>>, %arg3: memref<32x256xf32, #tpu.memory_space<vmem>>, %arg4: memref<1x256xf32, #tpu.memory_space<vmem>>, %arg5: memref<16x256xf32, #tpu.memory_space<vmem>>, %arg6: memref<256x16xf32, #tpu.memory_space<vmem>>, %arg7: memref<1024x128xf32, #tpu.memory_space<vmem>>) attributes {dimension_semantics = [#tpu.dimension_semantics<arbitrary>], iteration_bounds = array<i64: 20>, scalar_prefetch = 0 : i64, scratch_operands = 0 : i64, tpu.core_type = #tpu.core_type<tc>, window_params = [{transform_indices = @transform_0, window_bounds = array<i64: 1024, 128>}, {transform_indices = @transform_1, window_bounds = array<i64: 1024, 256>}, {pipeline_mode = #tpu.pipeline_mode<synchronous>, transform_indices = @transform_2, window_bounds = array<i64: 32, 256>}, {pipeline_mode = #tpu.pipeline_mode<synchronous>, transform_indices = @transform_3, window_bounds = array<i64: 1, 256>}, {pipeline_mode = #tpu.pipeline_mode<synchronous>, transform_indices = @transform_4, window_bounds = array<i64: 16, 256>}, {pipeline_mode = #tpu.pipeline_mode<synchronous>, transform_indices = @transform_5, window_bounds = array<i64: 256, 16>}, {transform_indices = @transform_6, window_bounds = array<i64: 1024, 128>}]} {
    %get3A = arith.constant 0 : index
    %get3A_0 = arith.constant 0 : index
    %get3A_1 = vector.load %arg3[%get3A, %get3A_0] : memref<32x256xf32, #tpu.memory_space<vmem>>, vector<32x256xf32>
    %get3A_2 = arith.constant 0 : index
    %get3A_3 = arith.constant 0 : index
    %get3A_4 = vector.load %arg4[%get3A_2, %get3A_3] : memref<1x256xf32, #tpu.memory_space<vmem>>, vector<1x256xf32>
    %get3A_5 = arith.constant 0 : index
    %get3A_6 = arith.constant 0 : index
    %get3A_7 = vector.load %arg5[%get3A_5, %get3A_6] : memref<16x256xf32, #tpu.memory_space<vmem>>, vector<16x256xf32>
    %get3A_8 = arith.constant 0 : index
    %get3A_9 = arith.constant 0 : index
    %get3A_10 = vector.load %arg6[%get3A_8, %get3A_9] : memref<256x16xf32, #tpu.memory_space<vmem>>, vector<256x16xf32>
    %get3A_11 = arith.constant 0 : index
    %get3A_12 = arith.constant 0 : index
    %get3A_13 = vector.load %arg1[%get3A_11, %get3A_12] : memref<1024x128xf32, #tpu.memory_space<vmem>>, vector<1024x16xf32>
    %get3A_14 = arith.constant 0 : index
    %get3A_15 = arith.constant 0 : index
    %get3A_16 = vector.load %arg2[%get3A_14, %get3A_15] : memref<1024x256xf32, #tpu.memory_space<vmem>>, vector<1024x32xf32>
    %dot_general3A = arith.constant dense<0.000000e+00> : vector<1024x256xf32>
    %dot_general3A_17 = tpu.matmul %get3A_16, %get3A_1, %dot_general3A {dimension_numbers = #tpu.dot_dimension_numbers<[1], [0], [0], [1], [0, 0, 1, 1], [], []>, transpose_lhs_hint = false} : vector<1024x32xf32>, vector<32x256xf32>, vector<1024x256xf32> -> vector<1024x256xf32>
    %add3A = vector.broadcast %get3A_4 : vector<1x256xf32> to vector<1024x256xf32>
    %add3A_18 = arith.addf %dot_general3A_17, %add3A : vector<1024x256xf32>
    %dot_general3A_19 = arith.constant dense<0.000000e+00> : vector<1024x256xf32>
    %dot_general3A_20 = tpu.matmul %get3A_13, %get3A_7, %dot_general3A_19 {dimension_numbers = #tpu.dot_dimension_numbers<[1], [0], [0], [1], [0, 0, 1, 1], [], []>, transpose_lhs_hint = false} : vector<1024x16xf32>, vector<16x256xf32>, vector<1024x256xf32> -> vector<1024x256xf32>
    %mul3A = arith.mulf %add3A_18, %dot_general3A_20 : vector<1024x256xf32>
    %dot_general3A_21 = arith.constant dense<0.000000e+00> : vector<1024x16xf32>
    %dot_general3A_22 = tpu.matmul %mul3A, %get3A_10, %dot_general3A_21 {dimension_numbers = #tpu.dot_dimension_numbers<[1], [0], [0], [1], [0, 0, 1, 1], [], []>, transpose_lhs_hint = false} : vector<1024x256xf32>, vector<256x16xf32>, vector<1024x16xf32> -> vector<1024x16xf32>
    %get3A_23 = arith.constant 0 : index
    %get3A_24 = arith.constant 16 : index
    %get3A_25 = vector.load %arg1[%get3A_23, %get3A_24] : memref<1024x128xf32, #tpu.memory_space<vmem>>, vector<1024x16xf32>
    %get3A_26 = arith.constant 0 : index
    %get3A_27 = arith.constant 32 : index
    %get3A_28 = vector.load %arg2[%get3A_26, %get3A_27] : memref<1024x256xf32, #tpu.memory_space<vmem>>, vector<1024x32xf32>
    %dot_general3A_29 = arith.constant dense<0.000000e+00> : vector<1024x256xf32>
    %dot_general3A_30 = tpu.matmul %get3A_28, %get3A_1, %dot_general3A_29 {dimension_numbers = #tpu.dot_dimension_numbers<[1], [0], [0], [1], [0, 0, 1, 1], [], []>, transpose_lhs_hint = false} : vector<1024x32xf32>, vector<32x256xf32>, vector<1024x256xf32> -> vector<1024x256xf32>
    %add3A_31 = vector.broadcast %get3A_4 : vector<1x256xf32> to vector<1024x256xf32>
    %add3A_32 = arith.addf %dot_general3A_30, %add3A_31 : vector<1024x256xf32>
    %dot_general3A_33 = arith.constant dense<0.000000e+00> : vector<1024x256xf32>
    %dot_general3A_34 = tpu.matmul %get3A_25, %get3A_7, %dot_general3A_33 {dimension_numbers = #tpu.dot_dimension_numbers<[1], [0], [0], [1], [0, 0, 1, 1], [], []>, transpose_lhs_hint = false} : vector<1024x16xf32>, vector<16x256xf32>, vector<1024x256xf32> -> vector<1024x256xf32>
    %mul3A_35 = arith.mulf %add3A_32, %dot_general3A_34 : vector<1024x256xf32>
    %dot_general3A_36 = arith.constant dense<0.000000e+00> : vector<1024x16xf32>
    %dot_general3A_37 = tpu.matmul %mul3A_35, %get3A_10, %dot_general3A_36 {dimension_numbers = #tpu.dot_dimension_numbers<[1], [0], [0], [1], [0, 0, 1, 1], [], []>, transpose_lhs_hint = false} : vector<1024x256xf32>, vector<256x16xf32>, vector<1024x16xf32> -> vector<1024x16xf32>
    %get3A_38 = arith.constant 0 : index
    %get3A_39 = arith.constant 32 : index
    %get3A_40 = vector.load %arg1[%get3A_38, %get3A_39] : memref<1024x128xf32, #tpu.memory_space<vmem>>, vector<1024x16xf32>
    %get3A_41 = arith.constant 0 : index
    %get3A_42 = arith.constant 64 : index
    %get3A_43 = vector.load %arg2[%get3A_41, %get3A_42] : memref<1024x256xf32, #tpu.memory_space<vmem>>, vector<1024x32xf32>
    %dot_general3A_44 = arith.constant dense<0.000000e+00> : vector<1024x256xf32>
    %dot_general3A_45 = tpu.matmul %get3A_43, %get3A_1, %dot_general3A_44 {dimension_numbers = #tpu.dot_dimension_numbers<[1], [0], [0], [1], [0, 0, 1, 1], [], []>, transpose_lhs_hint = false} : vector<1024x32xf32>, vector<32x256xf32>, vector<1024x256xf32> -> vector<1024x256xf32>
    %add3A_46 = vector.broadcast %get3A_4 : vector<1x256xf32> to vector<1024x256xf32>
    %add3A_47 = arith.addf %dot_general3A_45, %add3A_46 : vector<1024x256xf32>
    %dot_general3A_48 = arith.constant dense<0.000000e+00> : vector<1024x256xf32>
    %dot_general3A_49 = tpu.matmul %get3A_40, %get3A_7, %dot_general3A_48 {dimension_numbers = #tpu.dot_dimension_numbers<[1], [0], [0], [1], [0, 0, 1, 1], [], []>, transpose_lhs_hint = false} : vector<1024x16xf32>, vector<16x256xf32>, vector<1024x256xf32> -> vector<1024x256xf32>
    %mul3A_50 = arith.mulf %add3A_47, %dot_general3A_49 : vector<1024x256xf32>
    %dot_general3A_51 = arith.constant dense<0.000000e+00> : vector<1024x16xf32>
    %dot_general3A_52 = tpu.matmul %mul3A_50, %get3A_10, %dot_general3A_51 {dimension_numbers = #tpu.dot_dimension_numbers<[1], [0], [0], [1], [0, 0, 1, 1], [], []>, transpose_lhs_hint = false} : vector<1024x256xf32>, vector<256x16xf32>, vector<1024x16xf32> -> vector<1024x16xf32>
    %get3A_53 = arith.constant 0 : index
    %get3A_54 = arith.constant 48 : index
    %get3A_55 = vector.load %arg1[%get3A_53, %get3A_54] : memref<1024x128xf32, #tpu.memory_space<vmem>>, vector<1024x16xf32>
    %get3A_56 = arith.constant 0 : index
    %get3A_57 = arith.constant 96 : index
    %get3A_58 = vector.load %arg2[%get3A_56, %get3A_57] : memref<1024x256xf32, #tpu.memory_space<vmem>>, vector<1024x32xf32>
    %dot_general3A_59 = arith.constant dense<0.000000e+00> : vector<1024x256xf32>
    %dot_general3A_60 = tpu.matmul %get3A_58, %get3A_1, %dot_general3A_59 {dimension_numbers = #tpu.dot_dimension_numbers<[1], [0], [0], [1], [0, 0, 1, 1], [], []>, transpose_lhs_hint = false} : vector<1024x32xf32>, vector<32x256xf32>, vector<1024x256xf32> -> vector<1024x256xf32>
    %add3A_61 = vector.broadcast %get3A_4 : vector<1x256xf32> to vector<1024x256xf32>
    %add3A_62 = arith.addf %dot_general3A_60, %add3A_61 : vector<1024x256xf32>
    %dot_general3A_63 = arith.constant dense<0.000000e+00> : vector<1024x256xf32>
    %dot_general3A_64 = tpu.matmul %get3A_55, %get3A_7, %dot_general3A_63 {dimension_numbers = #tpu.dot_dimension_numbers<[1], [0], [0], [1], [0, 0, 1, 1], [], []>, transpose_lhs_hint = false} : vector<1024x16xf32>, vector<16x256xf32>, vector<1024x256xf32> -> vector<1024x256xf32>
    %mul3A_65 = arith.mulf %add3A_62, %dot_general3A_64 : vector<1024x256xf32>
    %dot_general3A_66 = arith.constant dense<0.000000e+00> : vector<1024x16xf32>
    %dot_general3A_67 = tpu.matmul %mul3A_65, %get3A_10, %dot_general3A_66 {dimension_numbers = #tpu.dot_dimension_numbers<[1], [0], [0], [1], [0, 0, 1, 1], [], []>, transpose_lhs_hint = false} : vector<1024x256xf32>, vector<256x16xf32>, vector<1024x16xf32> -> vector<1024x16xf32>
    %get3A_68 = arith.constant 0 : index
    %get3A_69 = arith.constant 64 : index
    %get3A_70 = vector.load %arg1[%get3A_68, %get3A_69] : memref<1024x128xf32, #tpu.memory_space<vmem>>, vector<1024x16xf32>
    %get3A_71 = arith.constant 0 : index
    %get3A_72 = arith.constant 128 : index
    %get3A_73 = vector.load %arg2[%get3A_71, %get3A_72] : memref<1024x256xf32, #tpu.memory_space<vmem>>, vector<1024x32xf32>
    %dot_general3A_74 = arith.constant dense<0.000000e+00> : vector<1024x256xf32>
    %dot_general3A_75 = tpu.matmul %get3A_73, %get3A_1, %dot_general3A_74 {dimension_numbers = #tpu.dot_dimension_numbers<[1], [0], [0], [1], [0, 0, 1, 1], [], []>, transpose_lhs_hint = false} : vector<1024x32xf32>, vector<32x256xf32>, vector<1024x256xf32> -> vector<1024x256xf32>
    %add3A_76 = vector.broadcast %get3A_4 : vector<1x256xf32> to vector<1024x256xf32>
    %add3A_77 = arith.addf %dot_general3A_75, %add3A_76 : vector<1024x256xf32>
    %dot_general3A_78 = arith.constant dense<0.000000e+00> : vector<1024x256xf32>
    %dot_general3A_79 = tpu.matmul %get3A_70, %get3A_7, %dot_general3A_78 {dimension_numbers = #tpu.dot_dimension_numbers<[1], [0], [0], [1], [0, 0, 1, 1], [], []>, transpose_lhs_hint = false} : vector<1024x16xf32>, vector<16x256xf32>, vector<1024x256xf32> -> vector<1024x256xf32>
    %mul3A_80 = arith.mulf %add3A_77, %dot_general3A_79 : vector<1024x256xf32>
    %dot_general3A_81 = arith.constant dense<0.000000e+00> : vector<1024x16xf32>
    %dot_general3A_82 = tpu.matmul %mul3A_80, %get3A_10, %dot_general3A_81 {dimension_numbers = #tpu.dot_dimension_numbers<[1], [0], [0], [1], [0, 0, 1, 1], [], []>, transpose_lhs_hint = false} : vector<1024x256xf32>, vector<256x16xf32>, vector<1024x16xf32> -> vector<1024x16xf32>
    %get3A_83 = arith.constant 0 : index
    %get3A_84 = arith.constant 80 : index
    %get3A_85 = vector.load %arg1[%get3A_83, %get3A_84] : memref<1024x128xf32, #tpu.memory_space<vmem>>, vector<1024x16xf32>
    %get3A_86 = arith.constant 0 : index
    %get3A_87 = arith.constant 160 : index
    %get3A_88 = vector.load %arg2[%get3A_86, %get3A_87] : memref<1024x256xf32, #tpu.memory_space<vmem>>, vector<1024x32xf32>
    %dot_general3A_89 = arith.constant dense<0.000000e+00> : vector<1024x256xf32>
    %dot_general3A_90 = tpu.matmul %get3A_88, %get3A_1, %dot_general3A_89 {dimension_numbers = #tpu.dot_dimension_numbers<[1], [0], [0], [1], [0, 0, 1, 1], [], []>, transpose_lhs_hint = false} : vector<1024x32xf32>, vector<32x256xf32>, vector<1024x256xf32> -> vector<1024x256xf32>
    %add3A_91 = vector.broadcast %get3A_4 : vector<1x256xf32> to vector<1024x256xf32>
    %add3A_92 = arith.addf %dot_general3A_90, %add3A_91 : vector<1024x256xf32>
    %dot_general3A_93 = arith.constant dense<0.000000e+00> : vector<1024x256xf32>
    %dot_general3A_94 = tpu.matmul %get3A_85, %get3A_7, %dot_general3A_93 {dimension_numbers = #tpu.dot_dimension_numbers<[1], [0], [0], [1], [0, 0, 1, 1], [], []>, transpose_lhs_hint = false} : vector<1024x16xf32>, vector<16x256xf32>, vector<1024x256xf32> -> vector<1024x256xf32>
    %mul3A_95 = arith.mulf %add3A_92, %dot_general3A_94 : vector<1024x256xf32>
    %dot_general3A_96 = arith.constant dense<0.000000e+00> : vector<1024x16xf32>
    %dot_general3A_97 = tpu.matmul %mul3A_95, %get3A_10, %dot_general3A_96 {dimension_numbers = #tpu.dot_dimension_numbers<[1], [0], [0], [1], [0, 0, 1, 1], [], []>, transpose_lhs_hint = false} : vector<1024x256xf32>, vector<256x16xf32>, vector<1024x16xf32> -> vector<1024x16xf32>
    %get3A_98 = arith.constant 0 : index
    %get3A_99 = arith.constant 96 : index
    %get3A_100 = vector.load %arg1[%get3A_98, %get3A_99] : memref<1024x128xf32, #tpu.memory_space<vmem>>, vector<1024x16xf32>
    %get3A_101 = arith.constant 0 : index
    %get3A_102 = arith.constant 192 : index
    %get3A_103 = vector.load %arg2[%get3A_101, %get3A_102] : memref<1024x256xf32, #tpu.memory_space<vmem>>, vector<1024x32xf32>
    %dot_general3A_104 = arith.constant dense<0.000000e+00> : vector<1024x256xf32>
    %dot_general3A_105 = tpu.matmul %get3A_103, %get3A_1, %dot_general3A_104 {dimension_numbers = #tpu.dot_dimension_numbers<[1], [0], [0], [1], [0, 0, 1, 1], [], []>, transpose_lhs_hint = false} : vector<1024x32xf32>, vector<32x256xf32>, vector<1024x256xf32> -> vector<1024x256xf32>
    %add3A_106 = vector.broadcast %get3A_4 : vector<1x256xf32> to vector<1024x256xf32>
    %add3A_107 = arith.addf %dot_general3A_105, %add3A_106 : vector<1024x256xf32>
    %dot_general3A_108 = arith.constant dense<0.000000e+00> : vector<1024x256xf32>
    %dot_general3A_109 = tpu.matmul %get3A_100, %get3A_7, %dot_general3A_108 {dimension_numbers = #tpu.dot_dimension_numbers<[1], [0], [0], [1], [0, 0, 1, 1], [], []>, transpose_lhs_hint = false} : vector<1024x16xf32>, vector<16x256xf32>, vector<1024x256xf32> -> vector<1024x256xf32>
    %mul3A_110 = arith.mulf %add3A_107, %dot_general3A_109 : vector<1024x256xf32>
    %dot_general3A_111 = arith.constant dense<0.000000e+00> : vector<1024x16xf32>
    %dot_general3A_112 = tpu.matmul %mul3A_110, %get3A_10, %dot_general3A_111 {dimension_numbers = #tpu.dot_dimension_numbers<[1], [0], [0], [1], [0, 0, 1, 1], [], []>, transpose_lhs_hint = false} : vector<1024x256xf32>, vector<256x16xf32>, vector<1024x16xf32> -> vector<1024x16xf32>
    %get3A_113 = arith.constant 0 : index
    %get3A_114 = arith.constant 112 : index
    %get3A_115 = vector.load %arg1[%get3A_113, %get3A_114] : memref<1024x128xf32, #tpu.memory_space<vmem>>, vector<1024x16xf32>
    %get3A_116 = arith.constant 0 : index
    %get3A_117 = arith.constant 224 : index
    %get3A_118 = vector.load %arg2[%get3A_116, %get3A_117] : memref<1024x256xf32, #tpu.memory_space<vmem>>, vector<1024x32xf32>
    %dot_general3A_119 = arith.constant dense<0.000000e+00> : vector<1024x256xf32>
    %dot_general3A_120 = tpu.matmul %get3A_118, %get3A_1, %dot_general3A_119 {dimension_numbers = #tpu.dot_dimension_numbers<[1], [0], [0], [1], [0, 0, 1, 1], [], []>, transpose_lhs_hint = false} : vector<1024x32xf32>, vector<32x256xf32>, vector<1024x256xf32> -> vector<1024x256xf32>
    %add3A_121 = vector.broadcast %get3A_4 : vector<1x256xf32> to vector<1024x256xf32>
    %add3A_122 = arith.addf %dot_general3A_120, %add3A_121 : vector<1024x256xf32>
    %dot_general3A_123 = arith.constant dense<0.000000e+00> : vector<1024x256xf32>
    %dot_general3A_124 = tpu.matmul %get3A_115, %get3A_7, %dot_general3A_123 {dimension_numbers = #tpu.dot_dimension_numbers<[1], [0], [0], [1], [0, 0, 1, 1], [], []>, transpose_lhs_hint = false} : vector<1024x16xf32>, vector<16x256xf32>, vector<1024x256xf32> -> vector<1024x256xf32>
    %mul3A_125 = arith.mulf %add3A_122, %dot_general3A_124 : vector<1024x256xf32>
    %dot_general3A_126 = arith.constant dense<0.000000e+00> : vector<1024x16xf32>
    %dot_general3A_127 = tpu.matmul %mul3A_125, %get3A_10, %dot_general3A_126 {dimension_numbers = #tpu.dot_dimension_numbers<[1], [0], [0], [1], [0, 0, 1, 1], [], []>, transpose_lhs_hint = false} : vector<1024x256xf32>, vector<256x16xf32>, vector<1024x16xf32> -> vector<1024x16xf32>
    %concatenate3A = tpu.concatenate %dot_general3A_22, %dot_general3A_37, %dot_general3A_52, %dot_general3A_67, %dot_general3A_82, %dot_general3A_97, %dot_general3A_112, %dot_general3A_127 in 1 : vector<1024x16xf32>, vector<1024x16xf32>, vector<1024x16xf32>, vector<1024x16xf32>, vector<1024x16xf32>, vector<1024x16xf32>, vector<1024x16xf32>, vector<1024x16xf32> -> vector<1024x128xf32>
    %swap3A = arith.constant 0 : index
    %swap3A_128 = arith.constant 0 : index
    %swap3A_129 = vector.load %arg7[%swap3A, %swap3A_128] : memref<1024x128xf32, #tpu.memory_space<vmem>>, vector<1024x128xf32>
    tpu.vector_store %arg7[%swap3A, %swap3A_128], %concatenate3A {strides = array<i32>} : memref<1024x128xf32, #tpu.memory_space<vmem>>, vector<1024x128xf32>,
    return
  }
  func.func @transform_0(%arg0: i32) -> (i32, i32) {
    %c0_i32 = arith.constant 0 : i32
    %c0_i32_0 = arith.constant 0 : i32
    return %arg0, %c0_i32 : i32, i32
  }
  func.func @transform_1(%arg0: i32) -> (i32, i32) {
    %c0_i32 = arith.constant 0 : i32
    %c0_i32_0 = arith.constant 0 : i32
    return %arg0, %c0_i32 : i32, i32
  }
  func.func @transform_2(%arg0: i32) -> (i32, i32) {
    %c0_i32 = arith.constant 0 : i32
    %c0_i32_0 = arith.constant 0 : i32
    %c0_i32_1 = arith.constant 0 : i32
    return %c0_i32, %c0_i32_0 : i32, i32
  }
  func.func @transform_3(%arg0: i32) -> (i32, i32) {
    %c0_i32 = arith.constant 0 : i32
    %c0_i32_0 = arith.constant 0 : i32
    %c0_i32_1 = arith.constant 0 : i32
    return %c0_i32, %c0_i32_0 : i32, i32
  }
  func.func @transform_4(%arg0: i32) -> (i32, i32) {
    %c0_i32 = arith.constant 0 : i32
    %c0_i32_0 = arith.constant 0 : i32
    %c0_i32_1 = arith.constant 0 : i32
    return %c0_i32, %c0_i32_0 : i32, i32
  }
  func.func @transform_5(%arg0: i32) -> (i32, i32) {
    %c0_i32 = arith.constant 0 : i32
    %c0_i32_0 = arith.constant 0 : i32
    %c0_i32_1 = arith.constant 0 : i32
    return %c0_i32, %c0_i32_0 : i32, i32
  }
  func.func @transform_6(%arg0: i32) -> (i32, i32) {
    %c0_i32 = arith.constant 0 : i32
    %c0_i32_0 = arith.constant 0 : i32
    return %arg0, %c0_i32 : i32, i32
  }
}

module attributes {stable_mosaic.version = 14 : i64} {
  func.func @_upd_body(%arg0: i32, %arg1: memref<2x10000x16xf32, #tpu.memory_space<vmem>>, %arg2: memref<10000x16xf32, #tpu.memory_space<vmem>>, %arg3: memref<16x16xf32, #tpu.memory_space<vmem>>, %arg4: memref<1x16xf32, #tpu.memory_space<vmem>>, %arg5: memref<10000x16xf32, #tpu.memory_space<vmem>>) attributes {dimension_semantics = [#tpu.dimension_semantics<arbitrary>], iteration_bounds = array<i64: 1>, scalar_prefetch = 0 : i64, scratch_operands = 0 : i64, tpu.core_type = #tpu.core_type<tc>, window_params = [{transform_indices = @transform_0, window_bounds = array<i64: 2, 10000, 16>}, {pipeline_mode = #tpu.pipeline_mode<synchronous>, transform_indices = @transform_1, window_bounds = array<i64: 10000, 16>}, {pipeline_mode = #tpu.pipeline_mode<synchronous>, transform_indices = @transform_2, window_bounds = array<i64: 16, 16>}, {pipeline_mode = #tpu.pipeline_mode<synchronous>, transform_indices = @transform_3, window_bounds = array<i64: 1, 16>}, {pipeline_mode = #tpu.pipeline_mode<synchronous>, transform_indices = @transform_4, window_bounds = array<i64: 10000, 16>}]} {
    %get3A = arith.constant 0 : index
    %get3A_0 = arith.constant 0 : index
    %get3A_1 = vector.load %arg2[%get3A, %get3A_0] : memref<10000x16xf32, #tpu.memory_space<vmem>>, vector<10000x16xf32>
    %get3A_2 = arith.constant 0 : index
    %get3A_3 = arith.constant 0 : index
    %get3A_4 = arith.constant 0 : index
    %get3A_5 = vector.load %arg1[%get3A_2, %get3A_3, %get3A_4] : memref<2x10000x16xf32, #tpu.memory_space<vmem>>, vector<1x10000x16xf32>
    %get3A_6 = vector.shape_cast %get3A_5 : vector<1x10000x16xf32> to vector<10000x16xf32>
    %get3A_7 = arith.constant 1 : index
    %get3A_8 = arith.constant 0 : index
    %get3A_9 = arith.constant 0 : index
    %get3A_10 = vector.load %arg1[%get3A_7, %get3A_8, %get3A_9] : memref<2x10000x16xf32, #tpu.memory_space<vmem>>, vector<1x10000x16xf32>
    %get3A_11 = vector.shape_cast %get3A_10 : vector<1x10000x16xf32> to vector<10000x16xf32>
    %add3A = arith.addf %get3A_6, %get3A_11 : vector<10000x16xf32>
    %get3A_12 = arith.constant 0 : index
    %get3A_13 = arith.constant 0 : index
    %get3A_14 = vector.load %arg3[%get3A_12, %get3A_13] : memref<16x16xf32, #tpu.memory_space<vmem>>, vector<16x16xf32>
    %dot_general3A = arith.constant dense<0.000000e+00> : vector<10000x16xf32>
    %dot_general3A_15 = tpu.matmul %get3A_1, %get3A_14, %dot_general3A {dimension_numbers = #tpu.dot_dimension_numbers<[1], [0], [0], [1], [0, 0, 1, 1], [], []>, transpose_lhs_hint = false} : vector<10000x16xf32>, vector<16x16xf32>, vector<10000x16xf32> -> vector<10000x16xf32>
    %add3A_16 = arith.addf %add3A, %dot_general3A_15 : vector<10000x16xf32>
    %get3A_17 = arith.constant 0 : index
    %get3A_18 = arith.constant 0 : index
    %get3A_19 = vector.load %arg4[%get3A_17, %get3A_18] : memref<1x16xf32, #tpu.memory_space<vmem>>, vector<1x16xf32>
    %add3A_20 = vector.broadcast %get3A_19 : vector<1x16xf32> to vector<10000x16xf32>
    %add3A_21 = arith.addf %add3A_16, %add3A_20 : vector<10000x16xf32>
    %mul3A = arith.constant 5.000000e-01 : f32
    %mul3A_22 = vector.broadcast %mul3A : f32 to vector<10000x16xf32>
    %mul3A_23 = arith.mulf %mul3A_22, %add3A_21 : vector<10000x16xf32>
    %mul3A_24 = arith.constant 0.707106769 : f32
    %mul3A_25 = vector.broadcast %mul3A_24 : f32 to vector<10000x16xf32>
    %mul3A_26 = arith.mulf %add3A_21, %mul3A_25 : vector<10000x16xf32>
    %erf3A = math.erf %mul3A_26 : vector<10000x16xf32>
    %add3A_27 = arith.constant 1.000000e+00 : f32
    %add3A_28 = vector.broadcast %add3A_27 : f32 to vector<10000x16xf32>
    %add3A_29 = arith.addf %add3A_28, %erf3A : vector<10000x16xf32>
    %mul3A_30 = arith.mulf %mul3A_23, %add3A_29 : vector<10000x16xf32>
    %swap3A = arith.constant 0 : index
    %swap3A_31 = arith.constant 0 : index
    %swap3A_32 = vector.load %arg5[%swap3A, %swap3A_31] : memref<10000x16xf32, #tpu.memory_space<vmem>>, vector<10000x16xf32>
    tpu.vector_store %arg5[%swap3A, %swap3A_31], %mul3A_30 {strides = array<i32>} : memref<10000x16xf32, #tpu.memory_space<vmem>>, vector<10000x16xf32>,
    return
  }
  func.func @transform_0(%arg0: i32) -> (i32, i32, i32) {
    %c0_i32 = arith.constant 0 : i32
    %c0_i32_0 = arith.constant 0 : i32
    %c0_i32_1 = arith.constant 0 : i32
    %c0_i32_2 = arith.constant 0 : i32
    return %c0_i32, %c0_i32_0, %c0_i32_1 : i32, i32, i32
  }
  func.func @transform_1(%arg0: i32) -> (i32, i32) {
    %c0_i32 = arith.constant 0 : i32
    %c0_i32_0 = arith.constant 0 : i32
    %c0_i32_1 = arith.constant 0 : i32
    return %c0_i32, %c0_i32_0 : i32, i32
  }
  func.func @transform_2(%arg0: i32) -> (i32, i32) {
    %c0_i32 = arith.constant 0 : i32
    %c0_i32_0 = arith.constant 0 : i32
    %c0_i32_1 = arith.constant 0 : i32
    return %c0_i32, %c0_i32_0 : i32, i32
  }
  func.func @transform_3(%arg0: i32) -> (i32, i32) {
    %c0_i32 = arith.constant 0 : i32
    %c0_i32_0 = arith.constant 0 : i32
    %c0_i32_1 = arith.constant 0 : i32
    return %c0_i32, %c0_i32_0 : i32, i32
  }
  func.func @transform_4(%arg0: i32) -> (i32, i32) {
    %c0_i32 = arith.constant 0 : i32
    %c0_i32_0 = arith.constant 0 : i32
    %c0_i32_1 = arith.constant 0 : i32
    return %c0_i32, %c0_i32_0 : i32, i32
  }
}

module attributes {stable_mosaic.version = 14 : i64} {
  func.func @_upd_body(%arg0: i32, %arg1: memref<2x10000x16xf32, #tpu.memory_space<vmem>>, %arg2: memref<10000x16xf32, #tpu.memory_space<vmem>>, %arg3: memref<16x16xf32, #tpu.memory_space<vmem>>, %arg4: memref<1x16xf32, #tpu.memory_space<vmem>>, %arg5: memref<10000x16xf32, #tpu.memory_space<vmem>>) attributes {dimension_semantics = [#tpu.dimension_semantics<arbitrary>], iteration_bounds = array<i64: 1>, scalar_prefetch = 0 : i64, scratch_operands = 0 : i64, tpu.core_type = #tpu.core_type<tc>, window_params = [{transform_indices = @transform_0, window_bounds = array<i64: 2, 10000, 16>}, {pipeline_mode = #tpu.pipeline_mode<synchronous>, transform_indices = @transform_1, window_bounds = array<i64: 10000, 16>}, {pipeline_mode = #tpu.pipeline_mode<synchronous>, transform_indices = @transform_2, window_bounds = array<i64: 16, 16>}, {pipeline_mode = #tpu.pipeline_mode<synchronous>, transform_indices = @transform_3, window_bounds = array<i64: 1, 16>}, {pipeline_mode = #tpu.pipeline_mode<synchronous>, transform_indices = @transform_4, window_bounds = array<i64: 10000, 16>}]} {
    %get3A = arith.constant 0 : index
    %get3A_0 = arith.constant 0 : index
    %get3A_1 = vector.load %arg2[%get3A, %get3A_0] : memref<10000x16xf32, #tpu.memory_space<vmem>>, vector<10000x16xf32>
    %get3A_2 = arith.constant 0 : index
    %get3A_3 = arith.constant 0 : index
    %get3A_4 = arith.constant 0 : index
    %get3A_5 = vector.load %arg1[%get3A_2, %get3A_3, %get3A_4] : memref<2x10000x16xf32, #tpu.memory_space<vmem>>, vector<1x10000x16xf32>
    %get3A_6 = vector.shape_cast %get3A_5 : vector<1x10000x16xf32> to vector<10000x16xf32>
    %get3A_7 = arith.constant 1 : index
    %get3A_8 = arith.constant 0 : index
    %get3A_9 = arith.constant 0 : index
    %get3A_10 = vector.load %arg1[%get3A_7, %get3A_8, %get3A_9] : memref<2x10000x16xf32, #tpu.memory_space<vmem>>, vector<1x10000x16xf32>
    %get3A_11 = vector.shape_cast %get3A_10 : vector<1x10000x16xf32> to vector<10000x16xf32>
    %add3A = arith.addf %get3A_6, %get3A_11 : vector<10000x16xf32>
    %get3A_12 = arith.constant 0 : index
    %get3A_13 = arith.constant 0 : index
    %get3A_14 = vector.load %arg3[%get3A_12, %get3A_13] : memref<16x16xf32, #tpu.memory_space<vmem>>, vector<16x16xf32>
    %dot_general3A = arith.constant dense<0.000000e+00> : vector<10000x16xf32>
    %dot_general3A_15 = tpu.matmul %get3A_1, %get3A_14, %dot_general3A {dimension_numbers = #tpu.dot_dimension_numbers<[1], [0], [0], [1], [0, 0, 1, 1], [], []>, transpose_lhs_hint = false} : vector<10000x16xf32>, vector<16x16xf32>, vector<10000x16xf32> -> vector<10000x16xf32>
    %add3A_16 = arith.addf %add3A, %dot_general3A_15 : vector<10000x16xf32>
    %get3A_17 = arith.constant 0 : index
    %get3A_18 = arith.constant 0 : index
    %get3A_19 = vector.load %arg4[%get3A_17, %get3A_18] : memref<1x16xf32, #tpu.memory_space<vmem>>, vector<1x16xf32>
    %add3A_20 = vector.broadcast %get3A_19 : vector<1x16xf32> to vector<10000x16xf32>
    %add3A_21 = arith.addf %add3A_16, %add3A_20 : vector<10000x16xf32>
    %swap3A = arith.constant 0 : index
    %swap3A_22 = arith.constant 0 : index
    %swap3A_23 = vector.load %arg5[%swap3A, %swap3A_22] : memref<10000x16xf32, #tpu.memory_space<vmem>>, vector<10000x16xf32>
    tpu.vector_store %arg5[%swap3A, %swap3A_22], %add3A_21 {strides = array<i32>} : memref<10000x16xf32, #tpu.memory_space<vmem>>, vector<10000x16xf32>,
    return
  }
  func.func @transform_0(%arg0: i32) -> (i32, i32, i32) {
    %c0_i32 = arith.constant 0 : i32
    %c0_i32_0 = arith.constant 0 : i32
    %c0_i32_1 = arith.constant 0 : i32
    %c0_i32_2 = arith.constant 0 : i32
    return %c0_i32, %c0_i32_0, %c0_i32_1 : i32, i32, i32
  }
  func.func @transform_1(%arg0: i32) -> (i32, i32) {
    %c0_i32 = arith.constant 0 : i32
    %c0_i32_0 = arith.constant 0 : i32
    %c0_i32_1 = arith.constant 0 : i32
    return %c0_i32, %c0_i32_0 : i32, i32
  }
  func.func @transform_2(%arg0: i32) -> (i32, i32) {
    %c0_i32 = arith.constant 0 : i32
    %c0_i32_0 = arith.constant 0 : i32
    %c0_i32_1 = arith.constant 0 : i32
    return %c0_i32, %c0_i32_0 : i32, i32
  }
  func.func @transform_3(%arg0: i32) -> (i32, i32) {
    %c0_i32 = arith.constant 0 : i32
    %c0_i32_0 = arith.constant 0 : i32
    %c0_i32_1 = arith.constant 0 : i32
    return %c0_i32, %c0_i32_0 : i32, i32
  }
  func.func @transform_4(%arg0: i32) -> (i32, i32) {
    %c0_i32 = arith.constant 0 : i32
    %c0_i32_0 = arith.constant 0 : i32
    %c0_i32_1 = arith.constant 0 : i32
    return %c0_i32, %c0_i32_0 : i32, i32
  }
}

</mosaic_0001>

<sc_bundles>
// kernel: kernel.15.cloned.1.call-start
scs
__scs_entry_jumppad:
0x0: {  	(pc) =	sbr.rel $0x88, $3  }
0x1: {  	(tag) =	ssettag $0x0;
	lr =	simm.s32 $0x1  }
0x2: {  	[smem:$0x3F96] =	sst lr;
	_ =	strace $0xD0000000  }
0x3: {  	_ = 	snop  }
0x4: {  	_ = 	snop  }
0x5: {  	_ = 	snop  }
0x6: {  	_ = 	snop  }
0x7: {  	_ = 	snop  }
__scs_overlays_trampoline_lowered:
0x8: {  	[smem:$0x3FA5] =	sst s0  }
0x9: {  	[smem:$0x3FA6] =	sst s1  }
0xa: {  	[smem:$0x3FA7] =	sst s2  }
0xb: {  	[smem:$0x3FA8] =	sst s3  }
0xc: {  	[smem:$0x3FA9] =	sst s4  }
0xd: {  	[smem:$0x3FAA] =	sst s5  }
0xe: {  	[smem:$0x3FAB] =	sst s6  }
0xf: {  	[smem:$0x3FAC] =	sst s7  }
0x10: {  	[smem:$0x3FAD] =	sst s8  }
0x11: {  	[smem:$0x3FAE] =	sst s9;
	s0 =	simm.s32 @!p0 $0x0  }
0x12: {  	s1 =	sld [smem:$0x3F94];
	s0 =	simm.s32 @p0 $0x1  }
0x13: {  	[smem:$0x3FAF] =	sst s0;
	s0 =	simm.s32 @!p1 $0x0  }
0x14: {  	s2 =	sld [smem:$0x3F93];
	s0 =	simm.s32 @p1 $0x1  }
0x15: {  	[smem:$0x3FB0] =	sst s0;
	s0 =	simm.s32 @!p2 $0x0  }
0x16: {  	s3 =	sld [smem:$0x3FDB];
	s0 =	simm.s32 @p2 $0x1  }
0x17: {  	s4 =	simm.s32 $0x1BF5;
	[smem:$0x3FB2] =	sst s0  }
0x18: {  	s0 =	sld [smem:$0x3F95];
	_ =	swait.ge [sflag:s4], $0x0  }
0x19: {  	s7 =	sld [smem:$0x3F96]  }
0x1a: {  	s8 =	sadd.s32 $0xFFFFE003, lr  }
0x1b: {  	s9 =	sadd.s32 $0xFFFFFEF7, lr;
	s5 =	simm.s32 $0xFFFFFFFF;
	p2 =	slt.u32 s8, $0xFFFFF086  }
0x1c: {  	p1 =	slt.u32 s9, $0xF7A;
	s5 =	simm.s32 @!p2 $0x0  }
0x1d: {  	s5 =	simm.s32 @p1 $0x1;
	p0 =	seq.s32 s7, s2  }
0x1e: {  	s7 =	smul.u32 @!p0 $0xF7A, s2;
	p2 =	seq.s32 @!p0 s5, $0x0  }
0x1f: {  	s9 =	smul.u32 $0xF7A, s1;
	s8 =	simm.s32 @!p0 $0x1BF5;
	p2 =	por !p2, p0  }
0x20: {  	[sflag:s8] =	ssyncset.s32 @!p0 $0xFFFFF086;
	s6 =	sadd.s32 @!p0 s3, s7;
	s7 =	simm.s32 @!p0 $0x108  }
0x21: {  	s3 =	sadd.s32 s3, s9;
	s6 =	sadd.s32 @!p0 $0x88, s6;
	s7 =	simm.s32 @p2 $0x1082  }
0x22: {  	[simem:s7], [sflag:s8] =	dma.local @!p0 [hbm:s6], $0xF7A  }
0x23: {  	s9 =	sor.u32 $0xD0000000, s2;
	s6 =	simm.s32 $0x108;
	_ =	swait.ge @!p0 [sflag:s8], $0x0  }
0x24: {  	s3 =	sadd.s32 $0x88, s3;
	s6 =	simm.s32 @!p1 $0x1082;
	[sflag:s4] =	ssyncset.s32 $0xFFFFF086  }
0x25: {  	[simem:s6], [sflag:s4] =	dma.local [hbm:s3], $0xF7A  }
0x26: {  	[smem:$0x3F96] =	sst s1;
	(tag) =	ssettag s2;
	_ =	strace s9  }
0x27: {  	s1 =	sld [smem:$0x3FA6]  }
0x28: {  	s2 =	sld [smem:$0x3FA7]  }
0x29: {  	s4 =	sld [smem:$0x3FA9]  }
0x2a: {  	p0 =	seq.s32 s5, $0x0;
	s5 =	sld [smem:$0x3FAA]  }
0x2b: {  	s6 =	sld [smem:$0x3FAB]  }
0x2c: {  	s7 =	sld [smem:$0x3FAC]  }
0x2d: {  	s3 =	simm.s32 $0x108;
	s8 =	sld [smem:$0x3FAD]  }
0x2e: {  	s3 =	simm.s32 @!p0 $0x1082;
	s9 =	sld [smem:$0x3FAE]  }
0x2f: {  	lr =	sadd.s32 s0, s3;
	s0 =	sld [smem:$0x3FA5]  }
0x30: {  	s3 =	sld [smem:$0x3FA8]  }
0x31: {  	[smem:$0x3FB1] =	sst s10  }
0x32: {  	s10 =	sld [smem:$0x3FAF];
	_ =	sdelay $0x3  }
0x33: {  	p0 =	seq.s32 s10, $0x1;
	s10 =	sld [smem:$0x3FB1];
	_ =	sdelay $0x3  }
0x34: {  	[smem:$0x3FB1] =	sst s10  }
0x35: {  	s10 =	sld [smem:$0x3FB0];
	_ =	sdelay $0x3  }
0x36: {  	p1 =	seq.s32 s10, $0x1;
	s10 =	sld [smem:$0x3FB1];
	_ =	sdelay $0x3  }
0x37: {  	[smem:$0x3FB1] =	sst s10  }
0x38: {  	s10 =	sld [smem:$0x3FB2]  }
0x39: {  	_ = 	snop;
	(pc) =	sbr.ind lr, $3  }
0x3a: {  	_ = 	snop  }
0x3b: {  	_ = 	snop  }
0x3c: {  	p2 =	seq.s32 s10, $0x1;
	s10 =	sld [smem:$0x3FB1]  }
0x3d: {  	_ =	shalt  }
0x3e: {  	_ =	shalt  }
0x3f: {  	_ =	shalt  }
0x40: {  	_ =	shalt  }
0x41: {  	_ =	shalt  }
0x42: {  	_ =	shalt  }
0x43: {  	_ =	shalt  }
0x44: {  	_ =	shalt  }
0x45: {  	_ =	shalt  }
0x46: {  	_ =	shalt  }
0x47: {  	_ =	shalt  }
0x48: {  	_ =	shalt  }
0x49: {  	_ =	shalt  }
0x4a: {  	_ =	shalt  }
0x4b: {  	_ =	shalt  }
0x4c: {  	_ =	shalt  }
0x4d: {  	_ =	shalt  }
0x4e: {  	_ =	shalt  }
0x4f: {  	_ =	shalt  }
0x50: {  	_ =	shalt  }
0x51: {  	_ =	shalt  }
0x52: {  	_ =	shalt  }
0x53: {  	_ =	shalt  }
0x54: {  	_ =	shalt  }
0x55: {  	_ =	shalt  }
0x56: {  	_ =	shalt  }
0x57: {  	_ =	shalt  }
0x58: {  	_ =	shalt  }
0x59: {  	_ =	shalt  }
0x5a: {  	_ =	shalt  }
0x5b: {  	_ =	shalt  }
0x5c: {  	_ =	shalt  }
0x5d: {  	_ =	shalt  }
0x5e: {  	_ =	shalt  }
0x5f: {  	_ =	shalt  }
0x60: {  	_ =	shalt  }
0x61: {  	_ =	shalt  }
0x62: {  	_ =	shalt  }
0x63: {  	_ =	shalt  }
0x64: {  	_ =	shalt  }
0x65: {  	_ =	shalt  }
0x66: {  	_ =	shalt  }
0x67: {  	_ =	shalt  }
0x68: {  	_ =	shalt  }
0x69: {  	_ =	shalt  }
0x6a: {  	_ =	shalt  }
0x6b: {  	_ =	shalt  }
0x6c: {  	_ =	shalt  }
0x6d: {  	_ =	shalt  }
0x6e: {  	_ =	shalt  }
0x6f: {  	_ =	shalt  }
0x70: {  	_ =	shalt  }
0x71: {  	_ =	shalt  }
0x72: {  	_ =	shalt  }
0x73: {  	_ =	shalt  }
0x74: {  	_ =	shalt  }
0x75: {  	_ =	shalt  }
0x76: {  	_ =	shalt  }
0x77: {  	_ =	shalt  }
0x78: {  	_ =	shalt  }
0x79: {  	_ =	shalt  }
0x7a: {  	_ =	shalt  }
0x7b: {  	_ =	shalt  }
0x7c: {  	_ =	shalt  }
0x7d: {  	_ =	shalt  }
0x7e: {  	_ =	shalt  }
0x7f: {  	_ =	shalt  }
0x80: {  	_ =	shalt  }
0x81: {  	_ =	shalt  }
0x82: {  	_ =	shalt  }
0x83: {  	_ =	shalt  }
0x84: {  	_ =	shalt  }
0x85: {  	_ =	shalt  }
0x86: {  	_ =	shalt  }
0x87: {  	_ =	shalt  }
.Lfunc_end0:
.L_simem_size_0:
called_computation_lowered:
.L_overlay_start_0:
0x88: {  	s2 =	sld [smem:$0x3FD9]  }
0x89: {  	s3 =	sld [smem:$0x3FFE];
	_ =	sdelay $0x1  }
0x8a: {  	s1 =	srdreg.scid  }
0x8b: {  	s0 =	sand.u32 $0x1, s1  }
0x8c: {  	s17 =	sshll.u32 s0, $0xA;
	s2 =	sadd.s32 s3, s2  }
0x8d: {  	s2 =	sadd.s32 s2, s17  }
0x8e: {  	[smem:$0x3FBD] =	sst s2  }
0x8f: {  	_ = 	snop  }
0x90: {  	s2 =	sld [smem:$0x3FD0];
	(tm) =	ssettm $0x1  }
0x91: {  	s18 =	sld [smem:$0x3FFB];
	_ =	sdelay $0x3  }
0x92: {  	_ =	strace s18  }
0x93: {  	s3 =	sld [smem:$0x3FFC];
	_ =	sdelay $0x3  }
0x94: {  	_ =	strace s3  }
0x95: {  	s3 =	sld [smem:$0x3FFD];
	_ =	sdelay $0x3  }
0x96: {  	_ =	strace s3  }
0x97: {  	_ =	strace $0x8FFFFFFF  }
0x98: {  	s19 =	sld [smem:$0x3FDB];
	_ =	sdelay $0x1  }
0x99: {  	s4 =	simm.s32 $_scs_section_size  }
0x9a: {  	s5 =	simm.s32 $_size__tile_overlayer_lowered;
	s6 =	simm.s32 $_tile_overlayer_lowered  }
0x9b: {  	s22 =	simm.s32 $0x1BFF;
	s21 =	sshll.u32 s6, $0x1;
	s3 =	sadd.s32 s4, s19  }
0x9c: {  	s7 =	simm.s32 $0x0;
	s20 =	sshll.u32 s5, $0x1;
	s5 =	sadd.s32 s21, s3  }
0x9d: {  	[timem:s7], [sflag:s22] =	dma.local [hbm:s5], s20  }
0x9e: {  	_ =	swait.ge [sflag:s22], s20  }
0x9f: {  	s4 =	ssub.s32 $0x0, s20;
	[sflag:s22] =	ssyncset.done $0x0  }
0xa0: {  	[sflag:s22] =	ssyncadd.s32 s4;
	_ =	sdelay $0x1  }
0xa1: {  	s23 =	simm.s32 $0x1B8B  }
0xa2: {  	_ =	swait.ge [sflag:s23], $0x1  }
0xa3: {  	[sflag:s23] =	ssyncset.done $0x0  }
0xa4: {  	s25 =	simm.s32 $0x1B8E;
	s24 =	sld [smem:$0x3FFE];
	[sflag:s23] =	ssyncadd.s32 $0xFFFFFFFF  }
0xa5: {  	s26 =	simm.s32 $execute0_lowered;
	[smem:$0x3FD2] =	sst s25  }
0xa6: {  	s5 =	sshll.u32 s26, $0x1;
	_ =	strace $0x80000046;
	[dreg:$0x1] =	wrdreg $0xFFFFFFFF  }
0xa7: {  	s28 =	simm.s32 $_size_execute0_lowered;
	s3 =	sadd.s32 s3, s5;
	[dreg:$0x0] =	wrdreg $0x0  }
0xa8: {  	s5 =	sshll.u32 s28, $0x1;
	[dreg:$0x2] =	wrdreg s3  }
0xa9: {  	[dreg:$0x3] =	wrdreg s5  }
0xaa: {  	[dreg:$0x4] =	wrdreg $0xC0  }
0xab: {  	_ =	task [dreg:s7], $0x5FFFF  }
0xac: {  	[dreg:$0x1] =	wrdreg $0xFFFFFFFF  }
0xad: {  	[dreg:$0x0] =	wrdreg $0x60  }
0xae: {  	[dreg:$0x2] =	wrdreg s2  }
0xaf: {  	[dreg:$0x3] =	wrdreg s24  }
0xb0: {  	[dreg:$0x4] =	wrdreg $0x154000  }
0xb1: {  	[dreg:$0x5] =	wrdreg $0x9  }
0xb2: {  	_ =	task.clear_ibuf [dreg:s7], $0x6FFFF;
	_ =	strace $0x90000046  }
0xb3: {  	s29 =	simm.s32 $0x9;
	_ =	strace $0x80000048  }
0xb4: {  	_ =	swait.ge [sflag:s29], $0x1  }
0xb5: {  	[sflag:s29] =	ssyncadd.s32 $0xFFFFFFFF  }
0xb6: {  	_ =	strace $0x90000048  }
0xb7: {  	_ =	sfence  }
0xb8: {  	s30 =	sld [smem:$0x0];
	_ =	sdelay $0x2  }
0xb9: {  	s31 =	sshll.u32 s1, $0xD;
	s1 =	sshrl.u32 s1, $0x2  }
0xba: {  	s3 =	sand.u32 $0x4000, s31;
	s1 =	sadd.s32 s1, s30  }
0xbb: {  	s0 =	sor.u32 s3, s0;
	s1 =	sshll.u32 s1, $0x11  }
0xbc: {  	s0 =	sor.u32 s1, s0  }
0xbd: {  	s0 =	sadd.s32 $0x8F2B, s0  }
0xbe: {  	[sflag:s0] =	ssyncadd.remote.s32 $0x1  }
0xbf: {  	_ =	sfence.sel $0xFFFF  }
0xc0: {  	[dreg:$0x0] =	wrdreg $0xFFFFFFFF;
	(pc) =	sbr.abs _section_cstart, $3  }
0xc1: {  	[dreg:$0x1] =	wrdreg $0xFFFFFFFF  }
0xc2: {  	_ =	task.clear_ibuf [dreg:s7], $0x2FFFF;
	_ =	strace $0x9FFFFFFF  }
0xc3: {  	(tm) =	ssettm $0x7FFFFFFF  }
tec
execute0_lowered:
.L_overlay_start_1:
0x0: {  	(tag) =	ssettag $0x1  }
0x1: {  	s4 =	rddreg [dreg:$0x0]  }
0x2: {  	s6 =	rddreg [dreg:$0x1]  }
0x3: {  	s0 =	srdreg.scid;
	s2 =	rddreg [dreg:$0x2]  }
0x4: {  	s3 =	simm.s32 $0x0;
	s11 =	simm.s32 $0x80;
	s12 =	simm.s32 $0x1  }
0x5: {  	s13 =	simm.s32 $0x1400;
	s14 =	simm.s32 $0x0;
	s5 =	sand.u32 $0x1, s0  }
0x6: {  	s0 =	stileid.u32;
	[smem:$0x7FF] =	sst s3;
	s1 =	sshll.u32 s5, $0x4  }
0x7: {  	s5 =	ssub.s32 $0x2, s5;
	s9 =	smul.u32 $0x2710, s0;
	s7 =	sor.u32 s0, s1  }
0x8: {  	s31 =	sshll.u32 s0, $0x6;
	s1 =	rddreg [dreg:$0x3];
	s8 =	smul.u32 $0x280, s7  }
0x9: {  	_ =	strace $0x80000047;
	s29 =	sshrl.u32 s5, $0x1;
	s7 =	smul.u32 $0x2800, s7  }
0xa: {  	s10 =	ssub.s32 s5, s29;
	s30 =	sshrl.u32 s9, $0x3;
	s9 =	sadd.s32 s9, s2  }
0xb: {  	s5 =	sor.u32 $0x1C02, s31;
	s4 =	sadd.s32 s4, s30;
	s8 =	sadd.s32 s8, s6  }
0xc: {  	s9 =	sshrl.u32 s9, $0x3;
	s7 =	sadd.s32 s7, s6;
	s6 =	sadd.s32 $0x3200, s8  }
0xd: {  	s7 =	sadd.s32 $0x8200, s7;
	s8 =	smax.u32 s10, $0x1;
	s10 =	simm.s32 $0x2  }
.LBB2_1:
0xe: {  	[spmem:s9], [sflag:s5] =	dma.local [hbm:s4], $0x4E2  }
0xf: {  	_ =	swait.ge [sflag:s10], $0x4E2  }
0x10: {  	[sflag:s10] =	ssyncset.done $0x0  }
0x11: {  	[sflag:s10] =	ssyncadd.s32 $0xFFFFFB1E  }
0x12: {  	[tilespmem:s3], [sflag:$0x2] =	stream.linear.gather [hbm4b:s6+s3], $0x1400, $0x38;
	[tilespmem:$0x17B10] =	vst v63  }
0x13: {  	_ =	swait.ge [sflag:s10], $0x1400  }
0x14: {  	[sflag:s10] =	ssyncset.done $0x0  }
0x15: {  	[sflag:s10] =	ssyncadd.s32 $0xFFFFEC00  }
0x16: {  	s15 =	simm.s32 $0x1400;
	s16 =	simm.s32 $0x0;
	[bflag:$0x0] =	sbarrier.arrive $0xFFFF  }
.LBB2_2:
0x17: {  	p0 =	sne.s32 s16, $0x4E00  }
.Ltmp0:
0x18: {  	_ = 	snop;
	(pc) =	sbr.rel @p0 .LBB2_2-.Ltmp0, $4  }
0x19: {  	_ = 	snop  }
0x1a: {  	s17 =	sshra.s32 s16, $0x2  }
0x1b: {  	[tilespmem:s15], [sflag:$0x1] =	stream.indirect.gather [spmem:s2], $0x10, s17, s11, $0xb8;
	[tilespmem:$0x17B10] =	vst v63  }
0x1c: {  	s16 =	sadd.s32 $0x200, s16;
	s15 =	sadd.s32 $0x800, s15  }
0x1d: {  	_ =	swait.ge [sflag:s12], $0x800  }
0x1e: {  	s15 =	simm.s32 $0x27;
	[sflag:s12] =	ssyncset.done $0x0  }
.LBB2_4:
0x1f: {  	p0 =	sne.s32 s15, $0x1;
	s15 =	sadd.s32 $0xFFFFFFFF, s15;
	[sflag:s12] =	ssyncadd.s32 $0xFFFFF800  }
.Ltmp1:
0x20: {  	(pc) =	sbr.rel @p0 .LBB2_4-.Ltmp1, $3  }
0x21: {  	_ =	sdelay $0x1  }
0x22: {  	_ =	swait.ge [sflag:s12], $0x800  }
0x23: {  	[sflag:s12] =	ssyncset.done $0x0  }
0x24: {  	s14 =	sadd.s32 $0x1, s14  }
0x25: {  	p0 =	sne.s32 s14, s8  }
.Ltmp2:
0x26: {  	[sflag:s12] =	ssyncadd.s32 $0xFFFFF800;
	(pc) =	sbr.rel @p0 .LBB2_1-.Ltmp2, $4  }
0x27: {  	[hbm4b:s7+s3] =	stream.linear.scatter [tilespmem:s13], [sflag:$0x2], $0x14000, $0x38;
	[tilespmem:$0x17B10] =	vst v63  }
0x28: {  	_ =	swait.ge [sflag:s10], $0x14000  }
0x29: {  	[sflag:s10] =	ssyncset.done $0x0  }
0x2a: {  	[sflag:s10] =	ssyncadd.s32 $0xFFFEC000  }
0x2b: {  	_ =	sfence.sel $0x180000  }
0x2c: {  	[bflag:$0x0] =	sbarrier.arrive $0xFFFF  }
0x2d: {  	p0 =	sne.s32 s0, $0x0;
	_ =	strace $0x90000047  }
0x2e: {  	s0 =	sadd.s32 @!p0 $0x100000, s1;
	[bflag:$0x2] =	sbarrier.arrive $0xFFFF  }
0x2f: {  	[sflag:s0] =	ssyncadd.tile.s32 @!p0 $0x1;
	_ =	shalt  }
.Lfunc_end2:
_tile_overlayer_lowered:
.L_overlay_start_2:
0x30: {  	(tag) =	ssettag $0x2  }
0x31: {  	s0 =	rddreg [dreg:$0x0];
	s2 =	stileid.u32  }
0x32: {  	s1 =	rddreg [dreg:$0x1];
	p0 =	sne.s32 s2, $0x0  }
0x33: {  	s3 =	rddreg [dreg:$0x2];
	[bflag:$0x3] =	sbarrier.arrive $0xFFFF;
	s2 =	simm.s32 @!p0 $0x1C02  }
0x34: {  	[timem:s3], [sflag:s2] =	dma.local @!p0 [hbm:s0], s1  }
0x35: {  	s0 =	simm.s32 @!p0 $0x2  }
0x36: {  	_ =	swait.ge @!p0 [sflag:s0], s1  }
0x37: {  	s1 =	ssub.s32 @!p0 $0x0, s1;
	[sflag:s0] =	ssyncset.done @!p0 $0x0  }
0x38: {  	[sflag:s0] =	ssyncadd.s32 @!p0 s1  }
0x39: {  	[bflag:$0x3] =	sbarrier.arrive $0xFFFF  }
0x3a: {  	_ =	shalt  }

// kernel: kernel.18.cloned.1.call-start
scs
__scs_entry_jumppad:
0x0: {  	(pc) =	sbr.rel $0x88, $3  }
0x1: {  	(tag) =	ssettag $0x0;
	lr =	simm.s32 $0x1  }
0x2: {  	[smem:$0x3F96] =	sst lr;
	_ =	strace $0xD0000000  }
0x3: {  	_ = 	snop  }
0x4: {  	_ = 	snop  }
0x5: {  	_ = 	snop  }
0x6: {  	_ = 	snop  }
0x7: {  	_ = 	snop  }
__scs_overlays_trampoline_lowered:
0x8: {  	[smem:$0x3FA5] =	sst s0  }
0x9: {  	[smem:$0x3FA6] =	sst s1  }
0xa: {  	[smem:$0x3FA7] =	sst s2  }
0xb: {  	[smem:$0x3FA8] =	sst s3  }
0xc: {  	[smem:$0x3FA9] =	sst s4  }
0xd: {  	[smem:$0x3FAA] =	sst s5  }
0xe: {  	[smem:$0x3FAB] =	sst s6  }
0xf: {  	[smem:$0x3FAC] =	sst s7  }
0x10: {  	[smem:$0x3FAD] =	sst s8  }
0x11: {  	[smem:$0x3FAE] =	sst s9;
	s0 =	simm.s32 @!p0 $0x0  }
0x12: {  	s1 =	sld [smem:$0x3F94];
	s0 =	simm.s32 @p0 $0x1  }
0x13: {  	[smem:$0x3FAF] =	sst s0;
	s0 =	simm.s32 @!p1 $0x0  }
0x14: {  	s2 =	sld [smem:$0x3F93];
	s0 =	simm.s32 @p1 $0x1  }
0x15: {  	[smem:$0x3FB0] =	sst s0;
	s0 =	simm.s32 @!p2 $0x0  }
0x16: {  	s3 =	sld [smem:$0x3FDB];
	s0 =	simm.s32 @p2 $0x1  }
0x17: {  	s4 =	simm.s32 $0x1BF5;
	[smem:$0x3FB2] =	sst s0  }
0x18: {  	s0 =	sld [smem:$0x3F95];
	_ =	swait.ge [sflag:s4], $0x0  }
0x19: {  	s7 =	sld [smem:$0x3F96]  }
0x1a: {  	s8 =	sadd.s32 $0xFFFFE003, lr  }
0x1b: {  	s9 =	sadd.s32 $0xFFFFFEF7, lr;
	s5 =	simm.s32 $0xFFFFFFFF;
	p2 =	slt.u32 s8, $0xFFFFF086  }
0x1c: {  	p1 =	slt.u32 s9, $0xF7A;
	s5 =	simm.s32 @!p2 $0x0  }
0x1d: {  	s5 =	simm.s32 @p1 $0x1;
	p0 =	seq.s32 s7, s2  }
0x1e: {  	s7 =	smul.u32 @!p0 $0xF7A, s2;
	p2 =	seq.s32 @!p0 s5, $0x0  }
0x1f: {  	s9 =	smul.u32 $0xF7A, s1;
	s8 =	simm.s32 @!p0 $0x1BF5;
	p2 =	por !p2, p0  }
0x20: {  	[sflag:s8] =	ssyncset.s32 @!p0 $0xFFFFF086;
	s6 =	sadd.s32 @!p0 s3, s7;
	s7 =	simm.s32 @!p0 $0x108  }
0x21: {  	s3 =	sadd.s32 s3, s9;
	s6 =	sadd.s32 @!p0 $0x88, s6;
	s7 =	simm.s32 @p2 $0x1082  }
0x22: {  	[simem:s7], [sflag:s8] =	dma.local @!p0 [hbm:s6], $0xF7A  }
0x23: {  	s9 =	sor.u32 $0xD0000000, s2;
	s6 =	simm.s32 $0x108;
	_ =	swait.ge @!p0 [sflag:s8], $0x0  }
0x24: {  	s3 =	sadd.s32 $0x88, s3;
	s6 =	simm.s32 @!p1 $0x1082;
	[sflag:s4] =	ssyncset.s32 $0xFFFFF086  }
0x25: {  	[simem:s6], [sflag:s4] =	dma.local [hbm:s3], $0xF7A  }
0x26: {  	[smem:$0x3F96] =	sst s1;
	(tag) =	ssettag s2;
	_ =	strace s9  }
0x27: {  	s1 =	sld [smem:$0x3FA6]  }
0x28: {  	s2 =	sld [smem:$0x3FA7]  }
0x29: {  	s4 =	sld [smem:$0x3FA9]  }
0x2a: {  	p0 =	seq.s32 s5, $0x0;
	s5 =	sld [smem:$0x3FAA]  }
0x2b: {  	s6 =	sld [smem:$0x3FAB]  }
0x2c: {  	s7 =	sld [smem:$0x3FAC]  }
0x2d: {  	s3 =	simm.s32 $0x108;
	s8 =	sld [smem:$0x3FAD]  }
0x2e: {  	s3 =	simm.s32 @!p0 $0x1082;
	s9 =	sld [smem:$0x3FAE]  }
0x2f: {  	lr =	sadd.s32 s0, s3;
	s0 =	sld [smem:$0x3FA5]  }
0x30: {  	s3 =	sld [smem:$0x3FA8]  }
0x31: {  	[smem:$0x3FB1] =	sst s10  }
0x32: {  	s10 =	sld [smem:$0x3FAF];
	_ =	sdelay $0x3  }
0x33: {  	p0 =	seq.s32 s10, $0x1;
	s10 =	sld [smem:$0x3FB1];
	_ =	sdelay $0x3  }
0x34: {  	[smem:$0x3FB1] =	sst s10  }
0x35: {  	s10 =	sld [smem:$0x3FB0];
	_ =	sdelay $0x3  }
0x36: {  	p1 =	seq.s32 s10, $0x1;
	s10 =	sld [smem:$0x3FB1];
	_ =	sdelay $0x3  }
0x37: {  	[smem:$0x3FB1] =	sst s10  }
0x38: {  	s10 =	sld [smem:$0x3FB2]  }
0x39: {  	_ = 	snop;
	(pc) =	sbr.ind lr, $3  }
0x3a: {  	_ = 	snop  }
0x3b: {  	_ = 	snop  }
0x3c: {  	p2 =	seq.s32 s10, $0x1;
	s10 =	sld [smem:$0x3FB1]  }
0x3d: {  	_ =	shalt  }
0x3e: {  	_ =	shalt  }
0x3f: {  	_ =	shalt  }
0x40: {  	_ =	shalt  }
0x41: {  	_ =	shalt  }
0x42: {  	_ =	shalt  }
0x43: {  	_ =	shalt  }
0x44: {  	_ =	shalt  }
0x45: {  	_ =	shalt  }
0x46: {  	_ =	shalt  }
0x47: {  	_ =	shalt  }
0x48: {  	_ =	shalt  }
0x49: {  	_ =	shalt  }
0x4a: {  	_ =	shalt  }
0x4b: {  	_ =	shalt  }
0x4c: {  	_ =	shalt  }
0x4d: {  	_ =	shalt  }
0x4e: {  	_ =	shalt  }
0x4f: {  	_ =	shalt  }
0x50: {  	_ =	shalt  }
0x51: {  	_ =	shalt  }
0x52: {  	_ =	shalt  }
0x53: {  	_ =	shalt  }
0x54: {  	_ =	shalt  }
0x55: {  	_ =	shalt  }
0x56: {  	_ =	shalt  }
0x57: {  	_ =	shalt  }
0x58: {  	_ =	shalt  }
0x59: {  	_ =	shalt  }
0x5a: {  	_ =	shalt  }
0x5b: {  	_ =	shalt  }
0x5c: {  	_ =	shalt  }
0x5d: {  	_ =	shalt  }
0x5e: {  	_ =	shalt  }
0x5f: {  	_ =	shalt  }
0x60: {  	_ =	shalt  }
0x61: {  	_ =	shalt  }
0x62: {  	_ =	shalt  }
0x63: {  	_ =	shalt  }
0x64: {  	_ =	shalt  }
0x65: {  	_ =	shalt  }
0x66: {  	_ =	shalt  }
0x67: {  	_ =	shalt  }
0x68: {  	_ =	shalt  }
0x69: {  	_ =	shalt  }
0x6a: {  	_ =	shalt  }
0x6b: {  	_ =	shalt  }
0x6c: {  	_ =	shalt  }
0x6d: {  	_ =	shalt  }
0x6e: {  	_ =	shalt  }
0x6f: {  	_ =	shalt  }
0x70: {  	_ =	shalt  }
0x71: {  	_ =	shalt  }
0x72: {  	_ =	shalt  }
0x73: {  	_ =	shalt  }
0x74: {  	_ =	shalt  }
0x75: {  	_ =	shalt  }
0x76: {  	_ =	shalt  }
0x77: {  	_ =	shalt  }
0x78: {  	_ =	shalt  }
0x79: {  	_ =	shalt  }
0x7a: {  	_ =	shalt  }
0x7b: {  	_ =	shalt  }
0x7c: {  	_ =	shalt  }
0x7d: {  	_ =	shalt  }
0x7e: {  	_ =	shalt  }
0x7f: {  	_ =	shalt  }
0x80: {  	_ =	shalt  }
0x81: {  	_ =	shalt  }
0x82: {  	_ =	shalt  }
0x83: {  	_ =	shalt  }
0x84: {  	_ =	shalt  }
0x85: {  	_ =	shalt  }
0x86: {  	_ =	shalt  }
0x87: {  	_ =	shalt  }
.Lfunc_end0:
.L_simem_size_0:
called_computation.1_lowered:
.L_overlay_start_0:
0x88: {  	s2 =	sld [smem:$0x3FD9]  }
0x89: {  	s3 =	sld [smem:$0x3FFE];
	_ =	sdelay $0x1  }
0x8a: {  	s1 =	srdreg.scid  }
0x8b: {  	s0 =	sand.u32 $0x1, s1  }
0x8c: {  	s17 =	sshll.u32 s0, $0xA;
	s2 =	sadd.s32 s3, s2  }
0x8d: {  	s2 =	sadd.s32 s2, s17  }
0x8e: {  	[smem:$0x3FBD] =	sst s2  }
0x8f: {  	_ = 	snop  }
0x90: {  	s2 =	sld [smem:$0x3FD0];
	(tm) =	ssettm $0x1  }
0x91: {  	s18 =	sld [smem:$0x3FFB];
	_ =	sdelay $0x3  }
0x92: {  	_ =	strace s18  }
0x93: {  	s3 =	sld [smem:$0x3FFC];
	_ =	sdelay $0x3  }
0x94: {  	_ =	strace s3  }
0x95: {  	s3 =	sld [smem:$0x3FFD];
	_ =	sdelay $0x3  }
0x96: {  	_ =	strace s3  }
0x97: {  	_ =	strace $0x8FFFFFFF  }
0x98: {  	s19 =	sld [smem:$0x3FDB];
	_ =	sdelay $0x1  }
0x99: {  	s4 =	simm.s32 $_scs_section_size  }
0x9a: {  	s5 =	simm.s32 $_size__tile_overlayer_lowered;
	s6 =	simm.s32 $_tile_overlayer_lowered  }
0x9b: {  	s22 =	simm.s32 $0x1BFF;
	s21 =	sshll.u32 s6, $0x1;
	s3 =	sadd.s32 s4, s19  }
0x9c: {  	s7 =	simm.s32 $0x0;
	s20 =	sshll.u32 s5, $0x1;
	s5 =	sadd.s32 s21, s3  }
0x9d: {  	[timem:s7], [sflag:s22] =	dma.local [hbm:s5], s20  }
0x9e: {  	_ =	swait.ge [sflag:s22], s20  }
0x9f: {  	s4 =	ssub.s32 $0x0, s20;
	[sflag:s22] =	ssyncset.done $0x0  }
0xa0: {  	[sflag:s22] =	ssyncadd.s32 s4;
	_ =	sdelay $0x1  }
0xa1: {  	s23 =	simm.s32 $0x1B8B  }
0xa2: {  	_ =	swait.ge [sflag:s23], $0x1  }
0xa3: {  	[sflag:s23] =	ssyncset.done $0x0  }
0xa4: {  	s25 =	simm.s32 $0x1B8E;
	s24 =	sld [smem:$0x3FFE];
	[sflag:s23] =	ssyncadd.s32 $0xFFFFFFFF  }
0xa5: {  	s26 =	simm.s32 $execute0_lowered;
	[smem:$0x3FD2] =	sst s25  }
0xa6: {  	s5 =	sshll.u32 s26, $0x1;
	_ =	strace $0x80000049;
	[dreg:$0x1] =	wrdreg $0xFFFFFFFF  }
0xa7: {  	s28 =	simm.s32 $_size_execute0_lowered;
	s3 =	sadd.s32 s3, s5;
	[dreg:$0x0] =	wrdreg $0x0  }
0xa8: {  	s5 =	sshll.u32 s28, $0x1;
	[dreg:$0x2] =	wrdreg s3  }
0xa9: {  	[dreg:$0x3] =	wrdreg s5  }
0xaa: {  	[dreg:$0x4] =	wrdreg $0xC0  }
0xab: {  	_ =	task [dreg:s7], $0x5FFFF  }
0xac: {  	[dreg:$0x1] =	wrdreg $0xFFFFFFFF  }
0xad: {  	[dreg:$0x0] =	wrdreg $0x60  }
0xae: {  	[dreg:$0x2] =	wrdreg s24  }
0xaf: {  	[dreg:$0x3] =	wrdreg s2  }
0xb0: {  	[dreg:$0x4] =	wrdreg $0x154000  }
0xb1: {  	[dreg:$0x5] =	wrdreg $0x9  }
0xb2: {  	_ =	task.clear_ibuf [dreg:s7], $0x6FFFF;
	_ =	strace $0x90000049  }
0xb3: {  	s29 =	simm.s32 $0x9;
	_ =	strace $0x8000004B  }
0xb4: {  	_ =	swait.ge [sflag:s29], $0x1  }
0xb5: {  	[sflag:s29] =	ssyncadd.s32 $0xFFFFFFFF  }
0xb6: {  	_ =	strace $0x9000004B  }
0xb7: {  	_ =	sfence  }
0xb8: {  	s30 =	sld [smem:$0x0];
	_ =	sdelay $0x2  }
0xb9: {  	s31 =	sshll.u32 s1, $0xD;
	s1 =	sshrl.u32 s1, $0x2  }
0xba: {  	s3 =	sand.u32 $0x4000, s31;
	s1 =	sadd.s32 s1, s30  }
0xbb: {  	s0 =	sor.u32 s3, s0;
	s1 =	sshll.u32 s1, $0x11  }
0xbc: {  	s0 =	sor.u32 s1, s0  }
0xbd: {  	s0 =	sadd.s32 $0x8F2B, s0  }
0xbe: {  	[sflag:s0] =	ssyncadd.remote.s32 $0x1  }
0xbf: {  	_ =	sfence.sel $0xFFFF  }
0xc0: {  	[dreg:$0x0] =	wrdreg $0xFFFFFFFF;
	(pc) =	sbr.abs _section_cstart, $3  }
0xc1: {  	[dreg:$0x1] =	wrdreg $0xFFFFFFFF  }
0xc2: {  	_ =	task.clear_ibuf [dreg:s7], $0x2FFFF;
	_ =	strace $0x9FFFFFFF  }
0xc3: {  	(tm) =	ssettm $0x7FFFFFFF  }
tec
execute0_lowered:
.L_overlay_start_1:
0x0: {  	(tag) =	ssettag $0x1  }
0x1: {  	s4 =	rddreg [dreg:$0x0]  }
0x2: {  	s6 =	rddreg [dreg:$0x1]  }
0x3: {  	s0 =	srdreg.scid;
	s2 =	rddreg [dreg:$0x2]  }
0x4: {  	s3 =	simm.s32 $0x0;
	s5 =	sand.u32 $0x1, s0;
	s0 =	stileid.u32  }
0x5: {  	[smem:$0x7FF] =	sst s3;
	s9 =	smul.u32 $0x4E40, s5  }
0x6: {  	s1 =	sshll.u32 s5, $0x4;
	s5 =	ssub.s32 $0x2, s5;
	s10 =	smul.u32 $0x2720, s0  }
0x7: {  	s31 =	sshll.u32 s0, $0x6;
	s7 =	sor.u32 s0, s1;
	s1 =	rddreg [dreg:$0x3]  }
0x8: {  	_ =	strace $0x8000004A;
	s30 =	sshrl.u32 s5, $0x1;
	s8 =	smul.u32 $0x2800, s7  }
0x9: {  	s7 =	smul.u32 $0x280, s7;
	s9 =	sadd.s32 s9, s4;
	s11 =	ssub.s32 s5, s30  }
0xa: {  	s12 =	sshrl.u32 s10, $0x3;
	s10 =	sadd.s32 s10, s2;
	s5 =	sor.u32 $0x1C01, s31  }
0xb: {  	s13 =	sadd.s32 $0xFD200, s9;
	s9 =	sshrl.u32 s10, $0x3;
	s10 =	simm.s32 $0x1  }
0xc: {  	s8 =	sadd.s32 s8, s4;
	s7 =	sadd.s32 s7, s4;
	s4 =	sadd.s32 s6, s12  }
0xd: {  	s12 =	sadd.s32 s12, s13;
	s13 =	simm.s32 $0x0;
	s6 =	sadd.s32 $0x58200, s7  }
0xe: {  	s7 =	sadd.s32 $0x8200, s8;
	s8 =	smax.u32 s11, $0x1;
	s11 =	simm.s32 $0x80  }
.LBB2_1:
0xf: {  	[spmem:s9], [sflag:s5] =	dma.local [hbm:s4], $0x4E4  }
0x10: {  	_ =	swait.ge [sflag:s10], $0x4E4  }
0x11: {  	[sflag:s10] =	ssyncset.done $0x0  }
0x12: {  	[sflag:s10] =	ssyncadd.s32 $0xFFFFFB1C  }
0x13: {  	[tilespmem:s3], [sflag:$0x1] =	stream.linear.gather [hbm4b:s6+s3], $0x1400, $0x38;
	[tilespmem:$0x17B20] =	vst v63  }
0x14: {  	_ =	swait.ge [sflag:s10], $0x1400  }
0x15: {  	[sflag:s10] =	ssyncset.done $0x0  }
0x16: {  	s14 =	simm.s32 $0x1400;
	[sflag:s10] =	ssyncadd.s32 $0xFFFFEC00  }
0x17: {  	[tilespmem:s14], [sflag:$0x1] =	stream.linear.gather [hbm4b:s7+s3], $0x14000, $0x38;
	[tilespmem:$0x17B20] =	vst v63  }
0x18: {  	_ =	swait.ge [sflag:s10], $0x14000  }
0x19: {  	[sflag:s10] =	ssyncset.done $0x0  }
0x1a: {  	[sflag:s10] =	ssyncadd.s32 $0xFFFEC000  }
0x1b: {  	s15 =	simm.s32 $0x0;
	[bflag:$0x0] =	sbarrier.arrive $0xFFFF  }
0x1c: {  	[spmem:s2] =	stream.indirect.scatter.add.f32 [tilespmem:s14], [sflag:$0x1], $0x10, s15, s11, $0xb8;
	[tilespmem:$0x17B20] =	vst v63  }
0x1d: {  	_ =	swait.ge [sflag:s10], $0x800  }
0x1e: {  	s15 =	simm.s32 $0x200;
	[sflag:s10] =	ssyncset.done $0x0  }
.LBB2_2:
0x1f: {  	s16 =	sshra.s32 s15, $0x2  }
0x20: {  	[sflag:s10] =	ssyncadd.s32 $0xFFFFF800;
	s14 =	sadd.s32 $0x800, s14;
	p0 =	sne.s32 s15, $0x4E00  }
0x21: {  	[spmem:s2] =	stream.indirect.scatter.add.f32 [tilespmem:s14], [sflag:$0x1], $0x10, s16, s11, $0xb8;
	[tilespmem:$0x17B20] =	vst v63  }
.Ltmp0:
0x22: {  	_ = 	snop;
	(pc) =	sbr.rel @p0 .LBB2_2-.Ltmp0, $4  }
0x23: {  	_ = 	snop  }
0x24: {  	s15 =	sadd.s32 $0x200, s15  }
0x25: {  	_ =	swait.ge [sflag:s10], $0x800  }
0x26: {  	[sflag:s10] =	ssyncset.done $0x0  }
0x27: {  	s13 =	sadd.s32 $0x1, s13  }
0x28: {  	[sflag:s10] =	ssyncadd.s32 $0xFFFFF800;
	p0 =	sne.s32 s13, s8  }
.Ltmp1:
0x29: {  	[bflag:$0x0] =	sbarrier.arrive $0xFFFF;
	(pc) =	sbr.rel @p0 .LBB2_1-.Ltmp1, $4  }
0x2a: {  	[hbm:s12], [sflag:s5] =	dma.local [spmem:s9], $0x4E4  }
0x2b: {  	_ =	swait.ge [sflag:s10], $0x4E4  }
0x2c: {  	[sflag:s10] =	ssyncset.done $0x0  }
0x2d: {  	[sflag:s10] =	ssyncadd.s32 $0xFFFFFB1C  }
0x2e: {  	_ =	sfence.sel $0x180000  }
0x2f: {  	[bflag:$0x0] =	sbarrier.arrive $0xFFFF  }
0x30: {  	p0 =	sne.s32 s0, $0x0;
	_ =	strace $0x9000004A  }
0x31: {  	s0 =	sadd.s32 @!p0 $0x100000, s1;
	[bflag:$0x2] =	sbarrier.arrive $0xFFFF  }
0x32: {  	[sflag:s0] =	ssyncadd.tile.s32 @!p0 $0x1;
	_ =	shalt  }
.Lfunc_end2:
_tile_overlayer_lowered:
.L_overlay_start_2:
0x33: {  	(tag) =	ssettag $0x2  }
0x34: {  	s0 =	rddreg [dreg:$0x0];
	s2 =	stileid.u32  }
0x35: {  	s1 =	rddreg [dreg:$0x1];
	p0 =	sne.s32 s2, $0x0  }
0x36: {  	s3 =	rddreg [dreg:$0x2];
	[bflag:$0x3] =	sbarrier.arrive $0xFFFF;
	s2 =	simm.s32 @!p0 $0x1C01  }
0x37: {  	[timem:s3], [sflag:s2] =	dma.local @!p0 [hbm:s0], s1  }
0x38: {  	s0 =	simm.s32 @!p0 $0x1  }
0x39: {  	_ =	swait.ge @!p0 [sflag:s0], s1  }
0x3a: {  	s1 =	ssub.s32 @!p0 $0x0, s1;
	[sflag:s0] =	ssyncset.done @!p0 $0x0  }
0x3b: {  	[sflag:s0] =	ssyncadd.s32 @!p0 s1  }
0x3c: {  	[bflag:$0x3] =	sbarrier.arrive $0xFFFF  }
0x3d: {  	_ =	shalt  }

// kernel: kernel.21.cloned.1.call-start
scs
__scs_entry_jumppad:
0x0: {  	(pc) =	sbr.rel $0x88, $3  }
0x1: {  	(tag) =	ssettag $0x0;
	lr =	simm.s32 $0x1  }
0x2: {  	[smem:$0x3F96] =	sst lr;
	_ =	strace $0xD0000000  }
0x3: {  	_ = 	snop  }
0x4: {  	_ = 	snop  }
0x5: {  	_ = 	snop  }
0x6: {  	_ = 	snop  }
0x7: {  	_ = 	snop  }
__scs_overlays_trampoline_lowered:
0x8: {  	[smem:$0x3FA5] =	sst s0  }
0x9: {  	[smem:$0x3FA6] =	sst s1  }
0xa: {  	[smem:$0x3FA7] =	sst s2  }
0xb: {  	[smem:$0x3FA8] =	sst s3  }
0xc: {  	[smem:$0x3FA9] =	sst s4  }
0xd: {  	[smem:$0x3FAA] =	sst s5  }
0xe: {  	[smem:$0x3FAB] =	sst s6  }
0xf: {  	[smem:$0x3FAC] =	sst s7  }
0x10: {  	[smem:$0x3FAD] =	sst s8  }
0x11: {  	[smem:$0x3FAE] =	sst s9;
	s0 =	simm.s32 @!p0 $0x0  }
0x12: {  	s1 =	sld [smem:$0x3F94];
	s0 =	simm.s32 @p0 $0x1  }
0x13: {  	[smem:$0x3FAF] =	sst s0;
	s0 =	simm.s32 @!p1 $0x0  }
0x14: {  	s2 =	sld [smem:$0x3F93];
	s0 =	simm.s32 @p1 $0x1  }
0x15: {  	[smem:$0x3FB0] =	sst s0;
	s0 =	simm.s32 @!p2 $0x0  }
0x16: {  	s3 =	sld [smem:$0x3FDB];
	s0 =	simm.s32 @p2 $0x1  }
0x17: {  	s4 =	simm.s32 $0x1BF5;
	[smem:$0x3FB2] =	sst s0  }
0x18: {  	s0 =	sld [smem:$0x3F95];
	_ =	swait.ge [sflag:s4], $0x0  }
0x19: {  	s7 =	sld [smem:$0x3F96]  }
0x1a: {  	s8 =	sadd.s32 $0xFFFFE003, lr  }
0x1b: {  	s9 =	sadd.s32 $0xFFFFFEF7, lr;
	s5 =	simm.s32 $0xFFFFFFFF;
	p2 =	slt.u32 s8, $0xFFFFF086  }
0x1c: {  	p1 =	slt.u32 s9, $0xF7A;
	s5 =	simm.s32 @!p2 $0x0  }
0x1d: {  	s5 =	simm.s32 @p1 $0x1;
	p0 =	seq.s32 s7, s2  }
0x1e: {  	s7 =	smul.u32 @!p0 $0xF7A, s2;
	p2 =	seq.s32 @!p0 s5, $0x0  }
0x1f: {  	s9 =	smul.u32 $0xF7A, s1;
	s8 =	simm.s32 @!p0 $0x1BF5;
	p2 =	por !p2, p0  }
0x20: {  	[sflag:s8] =	ssyncset.s32 @!p0 $0xFFFFF086;
	s6 =	sadd.s32 @!p0 s3, s7;
	s7 =	simm.s32 @!p0 $0x108  }
0x21: {  	s3 =	sadd.s32 s3, s9;
	s6 =	sadd.s32 @!p0 $0x88, s6;
	s7 =	simm.s32 @p2 $0x1082  }
0x22: {  	[simem:s7], [sflag:s8] =	dma.local @!p0 [hbm:s6], $0xF7A  }
0x23: {  	s9 =	sor.u32 $0xD0000000, s2;
	s6 =	simm.s32 $0x108;
	_ =	swait.ge @!p0 [sflag:s8], $0x0  }
0x24: {  	s3 =	sadd.s32 $0x88, s3;
	s6 =	simm.s32 @!p1 $0x1082;
	[sflag:s4] =	ssyncset.s32 $0xFFFFF086  }
0x25: {  	[simem:s6], [sflag:s4] =	dma.local [hbm:s3], $0xF7A  }
0x26: {  	[smem:$0x3F96] =	sst s1;
	(tag) =	ssettag s2;
	_ =	strace s9  }
0x27: {  	s1 =	sld [smem:$0x3FA6]  }
0x28: {  	s2 =	sld [smem:$0x3FA7]  }
0x29: {  	s4 =	sld [smem:$0x3FA9]  }
0x2a: {  	p0 =	seq.s32 s5, $0x0;
	s5 =	sld [smem:$0x3FAA]  }
0x2b: {  	s6 =	sld [smem:$0x3FAB]  }
0x2c: {  	s7 =	sld [smem:$0x3FAC]  }
0x2d: {  	s3 =	simm.s32 $0x108;
	s8 =	sld [smem:$0x3FAD]  }
0x2e: {  	s3 =	simm.s32 @!p0 $0x1082;
	s9 =	sld [smem:$0x3FAE]  }
0x2f: {  	lr =	sadd.s32 s0, s3;
	s0 =	sld [smem:$0x3FA5]  }
0x30: {  	s3 =	sld [smem:$0x3FA8]  }
0x31: {  	[smem:$0x3FB1] =	sst s10  }
0x32: {  	s10 =	sld [smem:$0x3FAF];
	_ =	sdelay $0x3  }
0x33: {  	p0 =	seq.s32 s10, $0x1;
	s10 =	sld [smem:$0x3FB1];
	_ =	sdelay $0x3  }
0x34: {  	[smem:$0x3FB1] =	sst s10  }
0x35: {  	s10 =	sld [smem:$0x3FB0];
	_ =	sdelay $0x3  }
0x36: {  	p1 =	seq.s32 s10, $0x1;
	s10 =	sld [smem:$0x3FB1];
	_ =	sdelay $0x3  }
0x37: {  	[smem:$0x3FB1] =	sst s10  }
0x38: {  	s10 =	sld [smem:$0x3FB2]  }
0x39: {  	_ = 	snop;
	(pc) =	sbr.ind lr, $3  }
0x3a: {  	_ = 	snop  }
0x3b: {  	_ = 	snop  }
0x3c: {  	p2 =	seq.s32 s10, $0x1;
	s10 =	sld [smem:$0x3FB1]  }
0x3d: {  	_ =	shalt  }
0x3e: {  	_ =	shalt  }
0x3f: {  	_ =	shalt  }
0x40: {  	_ =	shalt  }
0x41: {  	_ =	shalt  }
0x42: {  	_ =	shalt  }
0x43: {  	_ =	shalt  }
0x44: {  	_ =	shalt  }
0x45: {  	_ =	shalt  }
0x46: {  	_ =	shalt  }
0x47: {  	_ =	shalt  }
0x48: {  	_ =	shalt  }
0x49: {  	_ =	shalt  }
0x4a: {  	_ =	shalt  }
0x4b: {  	_ =	shalt  }
0x4c: {  	_ =	shalt  }
0x4d: {  	_ =	shalt  }
0x4e: {  	_ =	shalt  }
0x4f: {  	_ =	shalt  }
0x50: {  	_ =	shalt  }
0x51: {  	_ =	shalt  }
0x52: {  	_ =	shalt  }
0x53: {  	_ =	shalt  }
0x54: {  	_ =	shalt  }
0x55: {  	_ =	shalt  }
0x56: {  	_ =	shalt  }
0x57: {  	_ =	shalt  }
0x58: {  	_ =	shalt  }
0x59: {  	_ =	shalt  }
0x5a: {  	_ =	shalt  }
0x5b: {  	_ =	shalt  }
0x5c: {  	_ =	shalt  }
0x5d: {  	_ =	shalt  }
0x5e: {  	_ =	shalt  }
0x5f: {  	_ =	shalt  }
0x60: {  	_ =	shalt  }
0x61: {  	_ =	shalt  }
0x62: {  	_ =	shalt  }
0x63: {  	_ =	shalt  }
0x64: {  	_ =	shalt  }
0x65: {  	_ =	shalt  }
0x66: {  	_ =	shalt  }
0x67: {  	_ =	shalt  }
0x68: {  	_ =	shalt  }
0x69: {  	_ =	shalt  }
0x6a: {  	_ =	shalt  }
0x6b: {  	_ =	shalt  }
0x6c: {  	_ =	shalt  }
0x6d: {  	_ =	shalt  }
0x6e: {  	_ =	shalt  }
0x6f: {  	_ =	shalt  }
0x70: {  	_ =	shalt  }
0x71: {  	_ =	shalt  }
0x72: {  	_ =	shalt  }
0x73: {  	_ =	shalt  }
0x74: {  	_ =	shalt  }
0x75: {  	_ =	shalt  }
0x76: {  	_ =	shalt  }
0x77: {  	_ =	shalt  }
0x78: {  	_ =	shalt  }
0x79: {  	_ =	shalt  }
0x7a: {  	_ =	shalt  }
0x7b: {  	_ =	shalt  }
0x7c: {  	_ =	shalt  }
0x7d: {  	_ =	shalt  }
0x7e: {  	_ =	shalt  }
0x7f: {  	_ =	shalt  }
0x80: {  	_ =	shalt  }
0x81: {  	_ =	shalt  }
0x82: {  	_ =	shalt  }
0x83: {  	_ =	shalt  }
0x84: {  	_ =	shalt  }
0x85: {  	_ =	shalt  }
0x86: {  	_ =	shalt  }
0x87: {  	_ =	shalt  }
.Lfunc_end0:
.L_simem_size_0:
called_computation.2_lowered:
.L_overlay_start_0:
0x88: {  	s2 =	sld [smem:$0x3FD9]  }
0x89: {  	s3 =	sld [smem:$0x3FFE];
	_ =	sdelay $0x1  }
0x8a: {  	s1 =	srdreg.scid  }
0x8b: {  	s0 =	sand.u32 $0x1, s1  }
0x8c: {  	s16 =	sshll.u32 s0, $0xA;
	s2 =	sadd.s32 s3, s2  }
0x8d: {  	s2 =	sadd.s32 s2, s16  }
0x8e: {  	[smem:$0x3FBD] =	sst s2  }
0x8f: {  	_ = 	snop  }
0x90: {  	(tm) =	ssettm $0x1  }
0x91: {  	s17 =	sld [smem:$0x3FFB];
	_ =	sdelay $0x3  }
0x92: {  	_ =	strace s17  }
0x93: {  	s2 =	sld [smem:$0x3FFC];
	_ =	sdelay $0x3  }
0x94: {  	_ =	strace s2  }
0x95: {  	s2 =	sld [smem:$0x3FFD];
	_ =	sdelay $0x3  }
0x96: {  	_ =	strace s2  }
0x97: {  	_ =	strace $0x8FFFFFFF  }
0x98: {  	s18 =	sld [smem:$0x3FDB];
	_ =	sdelay $0x1  }
0x99: {  	s19 =	simm.s32 $_scs_section_size  }
0x9a: {  	s4 =	simm.s32 $_size__tile_overlayer_lowered;
	s5 =	simm.s32 $_tile_overlayer_lowered  }
0x9b: {  	s22 =	simm.s32 $0x1BFF;
	s21 =	sshll.u32 s5, $0x1;
	s2 =	sadd.s32 s19, s18  }
0x9c: {  	s6 =	simm.s32 $0x0;
	s20 =	sshll.u32 s4, $0x1;
	s4 =	sadd.s32 s21, s2  }
0x9d: {  	[timem:s6], [sflag:s22] =	dma.local [hbm:s4], s20  }
0x9e: {  	_ =	swait.ge [sflag:s22], s20  }
0x9f: {  	s3 =	ssub.s32 $0x0, s20;
	[sflag:s22] =	ssyncset.done $0x0  }
0xa0: {  	[sflag:s22] =	ssyncadd.s32 s3;
	_ =	sdelay $0x1  }
0xa1: {  	s23 =	simm.s32 $0x1B8B  }
0xa2: {  	_ =	swait.ge [sflag:s23], $0x1  }
0xa3: {  	[sflag:s23] =	ssyncset.done $0x0  }
0xa4: {  	s25 =	simm.s32 $0x1B8E;
	s24 =	sld [smem:$0x3FFE];
	[sflag:s23] =	ssyncadd.s32 $0xFFFFFFFF  }
0xa5: {  	s26 =	simm.s32 $execute0_lowered;
	[smem:$0x3FD2] =	sst s25  }
0xa6: {  	s4 =	sshll.u32 s26, $0x1;
	_ =	strace $0x8000004C;
	[dreg:$0x1] =	wrdreg $0xFFFFFFFF  }
0xa7: {  	s28 =	simm.s32 $_size_execute0_lowered;
	s2 =	sadd.s32 s2, s4;
	[dreg:$0x0] =	wrdreg $0x0  }
0xa8: {  	s4 =	sshll.u32 s28, $0x1;
	[dreg:$0x2] =	wrdreg s2  }
0xa9: {  	[dreg:$0x3] =	wrdreg s4  }
0xaa: {  	[dreg:$0x4] =	wrdreg $0xC0  }
0xab: {  	_ =	task [dreg:s6], $0x5FFFF  }
0xac: {  	[dreg:$0x1] =	wrdreg $0xFFFFFFFF  }
0xad: {  	[dreg:$0x0] =	wrdreg $0x60  }
0xae: {  	[dreg:$0x2] =	wrdreg s24  }
0xaf: {  	[dreg:$0x3] =	wrdreg $0x154000  }
0xb0: {  	[dreg:$0x4] =	wrdreg $0x9  }
0xb1: {  	_ =	task.clear_ibuf [dreg:s6], $0x5FFFF;
	_ =	strace $0x9000004C  }
0xb2: {  	s29 =	simm.s32 $0x9;
	_ =	strace $0x8000004E  }
0xb3: {  	_ =	swait.ge [sflag:s29], $0x1  }
0xb4: {  	[sflag:s29] =	ssyncadd.s32 $0xFFFFFFFF  }
0xb5: {  	_ =	strace $0x9000004E  }
0xb6: {  	_ =	sfence  }
0xb7: {  	s30 =	sld [smem:$0x0];
	_ =	sdelay $0x2  }
0xb8: {  	s31 =	sshll.u32 s1, $0xD;
	s1 =	sshrl.u32 s1, $0x2  }
0xb9: {  	s3 =	sand.u32 $0x4000, s31;
	s1 =	sadd.s32 s1, s30  }
0xba: {  	s0 =	sor.u32 s3, s0;
	s1 =	sshll.u32 s1, $0x11  }
0xbb: {  	s0 =	sor.u32 s1, s0  }
0xbc: {  	s0 =	sadd.s32 $0x8F2B, s0  }
0xbd: {  	[sflag:s0] =	ssyncadd.remote.s32 $0x1  }
0xbe: {  	_ =	sfence.sel $0xFFFF  }
0xbf: {  	[dreg:$0x0] =	wrdreg $0xFFFFFFFF;
	(pc) =	sbr.abs _section_cstart, $3  }
0xc0: {  	[dreg:$0x1] =	wrdreg $0xFFFFFFFF  }
0xc1: {  	_ =	task.clear_ibuf [dreg:s6], $0x2FFFF;
	_ =	strace $0x9FFFFFFF  }
0xc2: {  	(tm) =	ssettm $0x7FFFFFFF  }
0xc3: {  	_ =	shalt  }
tec
execute0_lowered:
.L_overlay_start_1:
0x0: {  	(tag) =	ssettag $0x1  }
0x1: {  	s4 =	rddreg [dreg:$0x0]  }
0x2: {  	s1 =	rddreg [dreg:$0x1]  }
0x3: {  	s2 =	srdreg.scid;
	s0 =	rddreg [dreg:$0x2]  }
0x4: {  	s3 =	simm.s32 $0x0;
	s13 =	simm.s32 $0x1400;
	s14 =	simm.s32 $0x0  }
0x5: {  	s5 =	sand.u32 $0x1, s2;
	s2 =	stileid.u32;
	[smem:$0x7FF] =	sst s3  }
0x6: {  	s6 =	sshll.u32 s5, $0x4;
	s7 =	smul.u32 $0x2710, s2;
	_ =	strace $0x8000004D  }
0x7: {  	s5 =	ssub.s32 $0x2, s5;
	s31 =	sshll.u32 s2, $0x6;
	s6 =	sor.u32 s2, s6  }
0x8: {  	s10 =	sshrl.u32 s5, $0x1;
	s8 =	smul.u32 $0x280, s6;
	s9 =	sshrl.u32 s7, $0x3  }
0x9: {  	s6 =	smul.u32 $0x2800, s6;
	s10 =	ssub.s32 s5, s10;
	s12 =	sadd.s32 s7, s1  }
0xa: {  	s5 =	sor.u32 $0x1C02, s31;
	s9 =	sadd.s32 s9, s4;
	s8 =	sadd.s32 s8, s4  }
0xb: {  	s11 =	sadd.s32 s6, s4;
	s4 =	sadd.s32 $0x8200, s9;
	s9 =	sshrl.u32 s12, $0x3  }
0xc: {  	s12 =	simm.s32 $0x1;
	s6 =	sadd.s32 $0x3200, s8;
	s7 =	sadd.s32 $0xFD200, s11  }
0xd: {  	s8 =	smax.u32 s10, $0x1;
	s10 =	simm.s32 $0x2;
	s11 =	simm.s32 $0x80  }
.LBB2_1:
0xe: {  	[spmem:s9], [sflag:s5] =	dma.local [hbm:s4], $0x4E2  }
0xf: {  	_ =	swait.ge [sflag:s10], $0x4E2  }
0x10: {  	[sflag:s10] =	ssyncset.done $0x0  }
0x11: {  	[sflag:s10] =	ssyncadd.s32 $0xFFFFFB1E  }
0x12: {  	[tilespmem:s3], [sflag:$0x2] =	stream.linear.gather [hbm4b:s6+s3], $0x1400, $0x38;
	[tilespmem:$0x17B10] =	vst v63  }
0x13: {  	_ =	swait.ge [sflag:s10], $0x1400  }
0x14: {  	[sflag:s10] =	ssyncset.done $0x0  }
0x15: {  	[sflag:s10] =	ssyncadd.s32 $0xFFFFEC00  }
0x16: {  	s15 =	simm.s32 $0x1400;
	s16 =	simm.s32 $0x0;
	[bflag:$0x0] =	sbarrier.arrive $0xFFFF  }
.LBB2_2:
0x17: {  	p0 =	sne.s32 s16, $0x4E00  }
.Ltmp0:
0x18: {  	_ = 	snop;
	(pc) =	sbr.rel @p0 .LBB2_2-.Ltmp0, $4  }
0x19: {  	_ = 	snop  }
0x1a: {  	s17 =	sshra.s32 s16, $0x2  }
0x1b: {  	[tilespmem:s15], [sflag:$0x1] =	stream.indirect.gather [spmem:s1], $0x10, s17, s11, $0xb8;
	[tilespmem:$0x17B10] =	vst v63  }
0x1c: {  	s16 =	sadd.s32 $0x200, s16;
	s15 =	sadd.s32 $0x800, s15  }
0x1d: {  	_ =	swait.ge [sflag:s12], $0x800  }
0x1e: {  	s15 =	simm.s32 $0x27;
	[sflag:s12] =	ssyncset.done $0x0  }
.LBB2_4:
0x1f: {  	p0 =	sne.s32 s15, $0x1;
	s15 =	sadd.s32 $0xFFFFFFFF, s15;
	[sflag:s12] =	ssyncadd.s32 $0xFFFFF800  }
.Ltmp1:
0x20: {  	(pc) =	sbr.rel @p0 .LBB2_4-.Ltmp1, $3  }
0x21: {  	_ =	sdelay $0x1  }
0x22: {  	_ =	swait.ge [sflag:s12], $0x800  }
0x23: {  	[sflag:s12] =	ssyncset.done $0x0  }
0x24: {  	s14 =	sadd.s32 $0x1, s14  }
0x25: {  	p0 =	sne.s32 s14, s8  }
.Ltmp2:
0x26: {  	[sflag:s12] =	ssyncadd.s32 $0xFFFFF800;
	(pc) =	sbr.rel @p0 .LBB2_1-.Ltmp2, $4  }
0x27: {  	[hbm4b:s7+s3] =	stream.linear.scatter [tilespmem:s13], [sflag:$0x2], $0x14000, $0x38;
	[tilespmem:$0x17B10] =	vst v63  }
0x28: {  	_ =	swait.ge [sflag:s10], $0x14000  }
0x29: {  	[sflag:s10] =	ssyncset.done $0x0  }
0x2a: {  	[sflag:s10] =	ssyncadd.s32 $0xFFFEC000  }
0x2b: {  	_ =	sfence.sel $0x180000  }
0x2c: {  	[bflag:$0x0] =	sbarrier.arrive $0xFFFF  }
0x2d: {  	p0 =	sne.s32 s2, $0x0;
	_ =	strace $0x9000004D  }
0x2e: {  	s0 =	sadd.s32 @!p0 $0x100000, s0;
	[bflag:$0x2] =	sbarrier.arrive $0xFFFF  }
0x2f: {  	[sflag:s0] =	ssyncadd.tile.s32 @!p0 $0x1;
	_ =	shalt  }
.Lfunc_end2:
_tile_overlayer_lowered:
.L_overlay_start_2:
0x30: {  	(tag) =	ssettag $0x2  }
0x31: {  	s0 =	rddreg [dreg:$0x0];
	s2 =	stileid.u32  }
0x32: {  	s1 =	rddreg [dreg:$0x1];
	p0 =	sne.s32 s2, $0x0  }
0x33: {  	s3 =	rddreg [dreg:$0x2];
	[bflag:$0x3] =	sbarrier.arrive $0xFFFF;
	s2 =	simm.s32 @!p0 $0x1C02  }
0x34: {  	[timem:s3], [sflag:s2] =	dma.local @!p0 [hbm:s0], s1  }
0x35: {  	s0 =	simm.s32 @!p0 $0x2  }
0x36: {  	_ =	swait.ge @!p0 [sflag:s0], s1  }
0x37: {  	s1 =	ssub.s32 @!p0 $0x0, s1;
	[sflag:s0] =	ssyncset.done @!p0 $0x0  }
0x38: {  	[sflag:s0] =	ssyncadd.s32 @!p0 s1  }
0x39: {  	[bflag:$0x3] =	sbarrier.arrive $0xFFFF  }
0x3a: {  	_ =	shalt  }

// kernel: kernel.24.cloned.1.call-start
scs
__scs_entry_jumppad:
0x0: {  	(pc) =	sbr.rel $0x88, $3  }
0x1: {  	(tag) =	ssettag $0x0;
	lr =	simm.s32 $0x1  }
0x2: {  	[smem:$0x3F96] =	sst lr;
	_ =	strace $0xD0000000  }
0x3: {  	_ = 	snop  }
0x4: {  	_ = 	snop  }
0x5: {  	_ = 	snop  }
0x6: {  	_ = 	snop  }
0x7: {  	_ = 	snop  }
__scs_overlays_trampoline_lowered:
0x8: {  	[smem:$0x3FA5] =	sst s0  }
0x9: {  	[smem:$0x3FA6] =	sst s1  }
0xa: {  	[smem:$0x3FA7] =	sst s2  }
0xb: {  	[smem:$0x3FA8] =	sst s3  }
0xc: {  	[smem:$0x3FA9] =	sst s4  }
0xd: {  	[smem:$0x3FAA] =	sst s5  }
0xe: {  	[smem:$0x3FAB] =	sst s6  }
0xf: {  	[smem:$0x3FAC] =	sst s7  }
0x10: {  	[smem:$0x3FAD] =	sst s8  }
0x11: {  	[smem:$0x3FAE] =	sst s9;
	s0 =	simm.s32 @!p0 $0x0  }
0x12: {  	s1 =	sld [smem:$0x3F94];
	s0 =	simm.s32 @p0 $0x1  }
0x13: {  	[smem:$0x3FAF] =	sst s0;
	s0 =	simm.s32 @!p1 $0x0  }
0x14: {  	s2 =	sld [smem:$0x3F93];
	s0 =	simm.s32 @p1 $0x1  }
0x15: {  	[smem:$0x3FB0] =	sst s0;
	s0 =	simm.s32 @!p2 $0x0  }
0x16: {  	s3 =	sld [smem:$0x3FDB];
	s0 =	simm.s32 @p2 $0x1  }
0x17: {  	s4 =	simm.s32 $0x1BF5;
	[smem:$0x3FB2] =	sst s0  }
0x18: {  	s0 =	sld [smem:$0x3F95];
	_ =	swait.ge [sflag:s4], $0x0  }
0x19: {  	s7 =	sld [smem:$0x3F96]  }
0x1a: {  	s8 =	sadd.s32 $0xFFFFE003, lr  }
0x1b: {  	s9 =	sadd.s32 $0xFFFFFEF7, lr;
	s5 =	simm.s32 $0xFFFFFFFF;
	p2 =	slt.u32 s8, $0xFFFFF086  }
0x1c: {  	p1 =	slt.u32 s9, $0xF7A;
	s5 =	simm.s32 @!p2 $0x0  }
0x1d: {  	s5 =	simm.s32 @p1 $0x1;
	p0 =	seq.s32 s7, s2  }
0x1e: {  	s7 =	smul.u32 @!p0 $0xF7A, s2;
	p2 =	seq.s32 @!p0 s5, $0x0  }
0x1f: {  	s9 =	smul.u32 $0xF7A, s1;
	s8 =	simm.s32 @!p0 $0x1BF5;
	p2 =	por !p2, p0  }
0x20: {  	[sflag:s8] =	ssyncset.s32 @!p0 $0xFFFFF086;
	s6 =	sadd.s32 @!p0 s3, s7;
	s7 =	simm.s32 @!p0 $0x108  }
0x21: {  	s3 =	sadd.s32 s3, s9;
	s6 =	sadd.s32 @!p0 $0x88, s6;
	s7 =	simm.s32 @p2 $0x1082  }
0x22: {  	[simem:s7], [sflag:s8] =	dma.local @!p0 [hbm:s6], $0xF7A  }
0x23: {  	s9 =	sor.u32 $0xD0000000, s2;
	s6 =	simm.s32 $0x108;
	_ =	swait.ge @!p0 [sflag:s8], $0x0  }
0x24: {  	s3 =	sadd.s32 $0x88, s3;
	s6 =	simm.s32 @!p1 $0x1082;
	[sflag:s4] =	ssyncset.s32 $0xFFFFF086  }
0x25: {  	[simem:s6], [sflag:s4] =	dma.local [hbm:s3], $0xF7A  }
0x26: {  	[smem:$0x3F96] =	sst s1;
	(tag) =	ssettag s2;
	_ =	strace s9  }
0x27: {  	s1 =	sld [smem:$0x3FA6]  }
0x28: {  	s2 =	sld [smem:$0x3FA7]  }
0x29: {  	s4 =	sld [smem:$0x3FA9]  }
0x2a: {  	p0 =	seq.s32 s5, $0x0;
	s5 =	sld [smem:$0x3FAA]  }
0x2b: {  	s6 =	sld [smem:$0x3FAB]  }
0x2c: {  	s7 =	sld [smem:$0x3FAC]  }
0x2d: {  	s3 =	simm.s32 $0x108;
	s8 =	sld [smem:$0x3FAD]  }
0x2e: {  	s3 =	simm.s32 @!p0 $0x1082;
	s9 =	sld [smem:$0x3FAE]  }
0x2f: {  	lr =	sadd.s32 s0, s3;
	s0 =	sld [smem:$0x3FA5]  }
0x30: {  	s3 =	sld [smem:$0x3FA8]  }
0x31: {  	[smem:$0x3FB1] =	sst s10  }
0x32: {  	s10 =	sld [smem:$0x3FAF];
	_ =	sdelay $0x3  }
0x33: {  	p0 =	seq.s32 s10, $0x1;
	s10 =	sld [smem:$0x3FB1];
	_ =	sdelay $0x3  }
0x34: {  	[smem:$0x3FB1] =	sst s10  }
0x35: {  	s10 =	sld [smem:$0x3FB0];
	_ =	sdelay $0x3  }
0x36: {  	p1 =	seq.s32 s10, $0x1;
	s10 =	sld [smem:$0x3FB1];
	_ =	sdelay $0x3  }
0x37: {  	[smem:$0x3FB1] =	sst s10  }
0x38: {  	s10 =	sld [smem:$0x3FB2]  }
0x39: {  	_ = 	snop;
	(pc) =	sbr.ind lr, $3  }
0x3a: {  	_ = 	snop  }
0x3b: {  	_ = 	snop  }
0x3c: {  	p2 =	seq.s32 s10, $0x1;
	s10 =	sld [smem:$0x3FB1]  }
0x3d: {  	_ =	shalt  }
0x3e: {  	_ =	shalt  }
0x3f: {  	_ =	shalt  }
0x40: {  	_ =	shalt  }
0x41: {  	_ =	shalt  }
0x42: {  	_ =	shalt  }
0x43: {  	_ =	shalt  }
0x44: {  	_ =	shalt  }
0x45: {  	_ =	shalt  }
0x46: {  	_ =	shalt  }
0x47: {  	_ =	shalt  }
0x48: {  	_ =	shalt  }
0x49: {  	_ =	shalt  }
0x4a: {  	_ =	shalt  }
0x4b: {  	_ =	shalt  }
0x4c: {  	_ =	shalt  }
0x4d: {  	_ =	shalt  }
0x4e: {  	_ =	shalt  }
0x4f: {  	_ =	shalt  }
0x50: {  	_ =	shalt  }
0x51: {  	_ =	shalt  }
0x52: {  	_ =	shalt  }
0x53: {  	_ =	shalt  }
0x54: {  	_ =	shalt  }
0x55: {  	_ =	shalt  }
0x56: {  	_ =	shalt  }
0x57: {  	_ =	shalt  }
0x58: {  	_ =	shalt  }
0x59: {  	_ =	shalt  }
0x5a: {  	_ =	shalt  }
0x5b: {  	_ =	shalt  }
0x5c: {  	_ =	shalt  }
0x5d: {  	_ =	shalt  }
0x5e: {  	_ =	shalt  }
0x5f: {  	_ =	shalt  }
0x60: {  	_ =	shalt  }
0x61: {  	_ =	shalt  }
0x62: {  	_ =	shalt  }
0x63: {  	_ =	shalt  }
0x64: {  	_ =	shalt  }
0x65: {  	_ =	shalt  }
0x66: {  	_ =	shalt  }
0x67: {  	_ =	shalt  }
0x68: {  	_ =	shalt  }
0x69: {  	_ =	shalt  }
0x6a: {  	_ =	shalt  }
0x6b: {  	_ =	shalt  }
0x6c: {  	_ =	shalt  }
0x6d: {  	_ =	shalt  }
0x6e: {  	_ =	shalt  }
0x6f: {  	_ =	shalt  }
0x70: {  	_ =	shalt  }
0x71: {  	_ =	shalt  }
0x72: {  	_ =	shalt  }
0x73: {  	_ =	shalt  }
0x74: {  	_ =	shalt  }
0x75: {  	_ =	shalt  }
0x76: {  	_ =	shalt  }
0x77: {  	_ =	shalt  }
0x78: {  	_ =	shalt  }
0x79: {  	_ =	shalt  }
0x7a: {  	_ =	shalt  }
0x7b: {  	_ =	shalt  }
0x7c: {  	_ =	shalt  }
0x7d: {  	_ =	shalt  }
0x7e: {  	_ =	shalt  }
0x7f: {  	_ =	shalt  }
0x80: {  	_ =	shalt  }
0x81: {  	_ =	shalt  }
0x82: {  	_ =	shalt  }
0x83: {  	_ =	shalt  }
0x84: {  	_ =	shalt  }
0x85: {  	_ =	shalt  }
0x86: {  	_ =	shalt  }
0x87: {  	_ =	shalt  }
.Lfunc_end0:
.L_simem_size_0:
called_computation.3_lowered:
.L_overlay_start_0:
0x88: {  	s2 =	sld [smem:$0x3FD9]  }
0x89: {  	s3 =	sld [smem:$0x3FFE];
	_ =	sdelay $0x1  }
0x8a: {  	s1 =	srdreg.scid  }
0x8b: {  	s0 =	sand.u32 $0x1, s1  }
0x8c: {  	s17 =	sshll.u32 s0, $0xA;
	s2 =	sadd.s32 s3, s2  }
0x8d: {  	s2 =	sadd.s32 s2, s17  }
0x8e: {  	[smem:$0x3FBD] =	sst s2  }
0x8f: {  	_ = 	snop  }
0x90: {  	s2 =	sld [smem:$0x3FD0];
	(tm) =	ssettm $0x1  }
0x91: {  	s18 =	sld [smem:$0x3FFB];
	_ =	sdelay $0x3  }
0x92: {  	_ =	strace s18  }
0x93: {  	s3 =	sld [smem:$0x3FFC];
	_ =	sdelay $0x3  }
0x94: {  	_ =	strace s3  }
0x95: {  	s3 =	sld [smem:$0x3FFD];
	_ =	sdelay $0x3  }
0x96: {  	_ =	strace s3  }
0x97: {  	_ =	strace $0x8FFFFFFF  }
0x98: {  	s19 =	sld [smem:$0x3FDB];
	_ =	sdelay $0x1  }
0x99: {  	s4 =	simm.s32 $_scs_section_size  }
0x9a: {  	s5 =	simm.s32 $_size__tile_overlayer_lowered;
	s6 =	simm.s32 $_tile_overlayer_lowered  }
0x9b: {  	s22 =	simm.s32 $0x1BFF;
	s21 =	sshll.u32 s6, $0x1;
	s3 =	sadd.s32 s4, s19  }
0x9c: {  	s7 =	simm.s32 $0x0;
	s20 =	sshll.u32 s5, $0x1;
	s5 =	sadd.s32 s21, s3  }
0x9d: {  	[timem:s7], [sflag:s22] =	dma.local [hbm:s5], s20  }
0x9e: {  	_ =	swait.ge [sflag:s22], s20  }
0x9f: {  	s4 =	ssub.s32 $0x0, s20;
	[sflag:s22] =	ssyncset.done $0x0  }
0xa0: {  	[sflag:s22] =	ssyncadd.s32 s4;
	_ =	sdelay $0x1  }
0xa1: {  	s23 =	simm.s32 $0x1B8B  }
0xa2: {  	_ =	swait.ge [sflag:s23], $0x1  }
0xa3: {  	[sflag:s23] =	ssyncset.done $0x0  }
0xa4: {  	s25 =	simm.s32 $0x1B8E;
	s24 =	sld [smem:$0x3FFE];
	[sflag:s23] =	ssyncadd.s32 $0xFFFFFFFF  }
0xa5: {  	s26 =	simm.s32 $execute0_lowered;
	[smem:$0x3FD2] =	sst s25  }
0xa6: {  	s5 =	sshll.u32 s26, $0x1;
	_ =	strace $0x8000004F;
	[dreg:$0x1] =	wrdreg $0xFFFFFFFF  }
0xa7: {  	s28 =	simm.s32 $_size_execute0_lowered;
	s3 =	sadd.s32 s3, s5;
	[dreg:$0x0] =	wrdreg $0x0  }
0xa8: {  	s5 =	sshll.u32 s28, $0x1;
	[dreg:$0x2] =	wrdreg s3  }
0xa9: {  	[dreg:$0x3] =	wrdreg s5  }
0xaa: {  	[dreg:$0x4] =	wrdreg $0xC0  }
0xab: {  	_ =	task [dreg:s7], $0x5FFFF  }
0xac: {  	[dreg:$0x1] =	wrdreg $0xFFFFFFFF  }
0xad: {  	[dreg:$0x0] =	wrdreg $0x60  }
0xae: {  	[dreg:$0x2] =	wrdreg s24  }
0xaf: {  	[dreg:$0x3] =	wrdreg s2  }
0xb0: {  	[dreg:$0x4] =	wrdreg $0x154000  }
0xb1: {  	[dreg:$0x5] =	wrdreg $0x9  }
0xb2: {  	_ =	task.clear_ibuf [dreg:s7], $0x6FFFF;
	_ =	strace $0x9000004F  }
0xb3: {  	s29 =	simm.s32 $0x9;
	_ =	strace $0x80000051  }
0xb4: {  	_ =	swait.ge [sflag:s29], $0x1  }
0xb5: {  	[sflag:s29] =	ssyncadd.s32 $0xFFFFFFFF  }
0xb6: {  	_ =	strace $0x90000051  }
0xb7: {  	_ =	sfence  }
0xb8: {  	s30 =	sld [smem:$0x0];
	_ =	sdelay $0x2  }
0xb9: {  	s31 =	sshll.u32 s1, $0xD;
	s1 =	sshrl.u32 s1, $0x2  }
0xba: {  	s3 =	sand.u32 $0x4000, s31;
	s1 =	sadd.s32 s1, s30  }
0xbb: {  	s0 =	sor.u32 s3, s0;
	s1 =	sshll.u32 s1, $0x11  }
0xbc: {  	s0 =	sor.u32 s1, s0  }
0xbd: {  	s0 =	sadd.s32 $0x8F2B, s0  }
0xbe: {  	[sflag:s0] =	ssyncadd.remote.s32 $0x1  }
0xbf: {  	_ =	sfence.sel $0xFFFF  }
0xc0: {  	[dreg:$0x0] =	wrdreg $0xFFFFFFFF;
	(pc) =	sbr.abs _section_cstart, $3  }
0xc1: {  	[dreg:$0x1] =	wrdreg $0xFFFFFFFF  }
0xc2: {  	_ =	task.clear_ibuf [dreg:s7], $0x2FFFF;
	_ =	strace $0x9FFFFFFF  }
0xc3: {  	(tm) =	ssettm $0x7FFFFFFF  }
tec
execute0_lowered:
.L_overlay_start_1:
0x0: {  	(tag) =	ssettag $0x1  }
0x1: {  	s4 =	rddreg [dreg:$0x0]  }
0x2: {  	s6 =	rddreg [dreg:$0x1]  }
0x3: {  	s0 =	srdreg.scid;
	s2 =	rddreg [dreg:$0x2]  }
0x4: {  	s3 =	simm.s32 $0x0;
	s5 =	sand.u32 $0x1, s0;
	s0 =	stileid.u32  }
0x5: {  	[smem:$0x7FF] =	sst s3;
	s9 =	smul.u32 $0x4E40, s5  }
0x6: {  	s1 =	sshll.u32 s5, $0x4;
	s5 =	ssub.s32 $0x2, s5;
	s10 =	smul.u32 $0x2720, s0  }
0x7: {  	s31 =	sshll.u32 s0, $0x6;
	s7 =	sor.u32 s0, s1;
	s1 =	rddreg [dreg:$0x3]  }
0x8: {  	_ =	strace $0x80000050;
	s30 =	sshrl.u32 s5, $0x1;
	s8 =	smul.u32 $0x2800, s7  }
0x9: {  	s7 =	smul.u32 $0x280, s7;
	s9 =	sadd.s32 s9, s4;
	s11 =	ssub.s32 s5, s30  }
0xa: {  	s12 =	sshrl.u32 s10, $0x3;
	s10 =	sadd.s32 s10, s2;
	s5 =	sor.u32 $0x1C01, s31  }
0xb: {  	s13 =	sadd.s32 $0xFD200, s9;
	s9 =	sshrl.u32 s10, $0x3;
	s10 =	simm.s32 $0x1  }
0xc: {  	s8 =	sadd.s32 s8, s4;
	s7 =	sadd.s32 s7, s4;
	s4 =	sadd.s32 s6, s12  }
0xd: {  	s12 =	sadd.s32 s12, s13;
	s13 =	simm.s32 $0x0;
	s6 =	sadd.s32 $0x58200, s7  }
0xe: {  	s7 =	sadd.s32 $0x8200, s8;
	s8 =	smax.u32 s11, $0x1;
	s11 =	simm.s32 $0x80  }
.LBB2_1:
0xf: {  	[spmem:s9], [sflag:s5] =	dma.local [hbm:s4], $0x4E4  }
0x10: {  	_ =	swait.ge [sflag:s10], $0x4E4  }
0x11: {  	[sflag:s10] =	ssyncset.done $0x0  }
0x12: {  	[sflag:s10] =	ssyncadd.s32 $0xFFFFFB1C  }
0x13: {  	[tilespmem:s3], [sflag:$0x1] =	stream.linear.gather [hbm4b:s6+s3], $0x1400, $0x38;
	[tilespmem:$0x17B20] =	vst v63  }
0x14: {  	_ =	swait.ge [sflag:s10], $0x1400  }
0x15: {  	[sflag:s10] =	ssyncset.done $0x0  }
0x16: {  	s14 =	simm.s32 $0x1400;
	[sflag:s10] =	ssyncadd.s32 $0xFFFFEC00  }
0x17: {  	[tilespmem:s14], [sflag:$0x1] =	stream.linear.gather [hbm4b:s7+s3], $0x14000, $0x38;
	[tilespmem:$0x17B20] =	vst v63  }
0x18: {  	_ =	swait.ge [sflag:s10], $0x14000  }
0x19: {  	[sflag:s10] =	ssyncset.done $0x0  }
0x1a: {  	[sflag:s10] =	ssyncadd.s32 $0xFFFEC000  }
0x1b: {  	s15 =	simm.s32 $0x0;
	[bflag:$0x0] =	sbarrier.arrive $0xFFFF  }
0x1c: {  	[spmem:s2] =	stream.indirect.scatter.add.f32 [tilespmem:s14], [sflag:$0x1], $0x10, s15, s11, $0xb8;
	[tilespmem:$0x17B20] =	vst v63  }
0x1d: {  	_ =	swait.ge [sflag:s10], $0x800  }
0x1e: {  	s15 =	simm.s32 $0x200;
	[sflag:s10] =	ssyncset.done $0x0  }
.LBB2_2:
0x1f: {  	s16 =	sshra.s32 s15, $0x2  }
0x20: {  	[sflag:s10] =	ssyncadd.s32 $0xFFFFF800;
	s14 =	sadd.s32 $0x800, s14;
	p0 =	sne.s32 s15, $0x4E00  }
0x21: {  	[spmem:s2] =	stream.indirect.scatter.add.f32 [tilespmem:s14], [sflag:$0x1], $0x10, s16, s11, $0xb8;
	[tilespmem:$0x17B20] =	vst v63  }
.Ltmp0:
0x22: {  	_ = 	snop;
	(pc) =	sbr.rel @p0 .LBB2_2-.Ltmp0, $4  }
0x23: {  	_ = 	snop  }
0x24: {  	s15 =	sadd.s32 $0x200, s15  }
0x25: {  	_ =	swait.ge [sflag:s10], $0x800  }
0x26: {  	[sflag:s10] =	ssyncset.done $0x0  }
0x27: {  	s13 =	sadd.s32 $0x1, s13  }
0x28: {  	[sflag:s10] =	ssyncadd.s32 $0xFFFFF800;
	p0 =	sne.s32 s13, s8  }
.Ltmp1:
0x29: {  	[bflag:$0x0] =	sbarrier.arrive $0xFFFF;
	(pc) =	sbr.rel @p0 .LBB2_1-.Ltmp1, $4  }
0x2a: {  	[hbm:s12], [sflag:s5] =	dma.local [spmem:s9], $0x4E4  }
0x2b: {  	_ =	swait.ge [sflag:s10], $0x4E4  }
0x2c: {  	[sflag:s10] =	ssyncset.done $0x0  }
0x2d: {  	[sflag:s10] =	ssyncadd.s32 $0xFFFFFB1C  }
0x2e: {  	_ =	sfence.sel $0x180000  }
0x2f: {  	[bflag:$0x0] =	sbarrier.arrive $0xFFFF  }
0x30: {  	p0 =	sne.s32 s0, $0x0;
	_ =	strace $0x90000050  }
0x31: {  	s0 =	sadd.s32 @!p0 $0x100000, s1;
	[bflag:$0x2] =	sbarrier.arrive $0xFFFF  }
0x32: {  	[sflag:s0] =	ssyncadd.tile.s32 @!p0 $0x1;
	_ =	shalt  }
.Lfunc_end2:
_tile_overlayer_lowered:
.L_overlay_start_2:
0x33: {  	(tag) =	ssettag $0x2  }
0x34: {  	s0 =	rddreg [dreg:$0x0];
	s2 =	stileid.u32  }
0x35: {  	s1 =	rddreg [dreg:$0x1];
	p0 =	sne.s32 s2, $0x0  }
0x36: {  	s3 =	rddreg [dreg:$0x2];
	[bflag:$0x3] =	sbarrier.arrive $0xFFFF;
	s2 =	simm.s32 @!p0 $0x1C01  }
0x37: {  	[timem:s3], [sflag:s2] =	dma.local @!p0 [hbm:s0], s1  }
0x38: {  	s0 =	simm.s32 @!p0 $0x1  }
0x39: {  	_ =	swait.ge @!p0 [sflag:s0], s1  }
0x3a: {  	s1 =	ssub.s32 @!p0 $0x0, s1;
	[sflag:s0] =	ssyncset.done @!p0 $0x0  }
0x3b: {  	[sflag:s0] =	ssyncadd.s32 @!p0 s1  }
0x3c: {  	[bflag:$0x3] =	sbarrier.arrive $0xFFFF  }
0x3d: {  	_ =	shalt  }

// kernel: kernel.27.cloned.1.call-start
scs
__scs_entry_jumppad:
0x0: {  	(pc) =	sbr.rel $0x88, $3  }
0x1: {  	(tag) =	ssettag $0x0;
	lr =	simm.s32 $0x1  }
0x2: {  	[smem:$0x3F96] =	sst lr;
	_ =	strace $0xD0000000  }
0x3: {  	_ = 	snop  }
0x4: {  	_ = 	snop  }
0x5: {  	_ = 	snop  }
0x6: {  	_ = 	snop  }
0x7: {  	_ = 	snop  }
__scs_overlays_trampoline_lowered:
0x8: {  	[smem:$0x3FA5] =	sst s0  }
0x9: {  	[smem:$0x3FA6] =	sst s1  }
0xa: {  	[smem:$0x3FA7] =	sst s2  }
0xb: {  	[smem:$0x3FA8] =	sst s3  }
0xc: {  	[smem:$0x3FA9] =	sst s4  }
0xd: {  	[smem:$0x3FAA] =	sst s5  }
0xe: {  	[smem:$0x3FAB] =	sst s6  }
0xf: {  	[smem:$0x3FAC] =	sst s7  }
0x10: {  	[smem:$0x3FAD] =	sst s8  }
0x11: {  	[smem:$0x3FAE] =	sst s9;
	s0 =	simm.s32 @!p0 $0x0  }
0x12: {  	s1 =	sld [smem:$0x3F94];
	s0 =	simm.s32 @p0 $0x1  }
0x13: {  	[smem:$0x3FAF] =	sst s0;
	s0 =	simm.s32 @!p1 $0x0  }
0x14: {  	s2 =	sld [smem:$0x3F93];
	s0 =	simm.s32 @p1 $0x1  }
0x15: {  	[smem:$0x3FB0] =	sst s0;
	s0 =	simm.s32 @!p2 $0x0  }
0x16: {  	s3 =	sld [smem:$0x3FDB];
	s0 =	simm.s32 @p2 $0x1  }
0x17: {  	s4 =	simm.s32 $0x1BF5;
	[smem:$0x3FB2] =	sst s0  }
0x18: {  	s0 =	sld [smem:$0x3F95];
	_ =	swait.ge [sflag:s4], $0x0  }
0x19: {  	s7 =	sld [smem:$0x3F96]  }
0x1a: {  	s8 =	sadd.s32 $0xFFFFE003, lr  }
0x1b: {  	s9 =	sadd.s32 $0xFFFFFEF7, lr;
	s5 =	simm.s32 $0xFFFFFFFF;
	p2 =	slt.u32 s8, $0xFFFFF086  }
0x1c: {  	p1 =	slt.u32 s9, $0xF7A;
	s5 =	simm.s32 @!p2 $0x0  }
0x1d: {  	s5 =	simm.s32 @p1 $0x1;
	p0 =	seq.s32 s7, s2  }
0x1e: {  	s7 =	smul.u32 @!p0 $0xF7A, s2;
	p2 =	seq.s32 @!p0 s5, $0x0  }
0x1f: {  	s9 =	smul.u32 $0xF7A, s1;
	s8 =	simm.s32 @!p0 $0x1BF5;
	p2 =	por !p2, p0  }
0x20: {  	[sflag:s8] =	ssyncset.s32 @!p0 $0xFFFFF086;
	s6 =	sadd.s32 @!p0 s3, s7;
	s7 =	simm.s32 @!p0 $0x108  }
0x21: {  	s3 =	sadd.s32 s3, s9;
	s6 =	sadd.s32 @!p0 $0x88, s6;
	s7 =	simm.s32 @p2 $0x1082  }
0x22: {  	[simem:s7], [sflag:s8] =	dma.local @!p0 [hbm:s6], $0xF7A  }
0x23: {  	s9 =	sor.u32 $0xD0000000, s2;
	s6 =	simm.s32 $0x108;
	_ =	swait.ge @!p0 [sflag:s8], $0x0  }
0x24: {  	s3 =	sadd.s32 $0x88, s3;
	s6 =	simm.s32 @!p1 $0x1082;
	[sflag:s4] =	ssyncset.s32 $0xFFFFF086  }
0x25: {  	[simem:s6], [sflag:s4] =	dma.local [hbm:s3], $0xF7A  }
0x26: {  	[smem:$0x3F96] =	sst s1;
	(tag) =	ssettag s2;
	_ =	strace s9  }
0x27: {  	s1 =	sld [smem:$0x3FA6]  }
0x28: {  	s2 =	sld [smem:$0x3FA7]  }
0x29: {  	s4 =	sld [smem:$0x3FA9]  }
0x2a: {  	p0 =	seq.s32 s5, $0x0;
	s5 =	sld [smem:$0x3FAA]  }
0x2b: {  	s6 =	sld [smem:$0x3FAB]  }
0x2c: {  	s7 =	sld [smem:$0x3FAC]  }
0x2d: {  	s3 =	simm.s32 $0x108;
	s8 =	sld [smem:$0x3FAD]  }
0x2e: {  	s3 =	simm.s32 @!p0 $0x1082;
	s9 =	sld [smem:$0x3FAE]  }
0x2f: {  	lr =	sadd.s32 s0, s3;
	s0 =	sld [smem:$0x3FA5]  }
0x30: {  	s3 =	sld [smem:$0x3FA8]  }
0x31: {  	[smem:$0x3FB1] =	sst s10  }
0x32: {  	s10 =	sld [smem:$0x3FAF];
	_ =	sdelay $0x3  }
0x33: {  	p0 =	seq.s32 s10, $0x1;
	s10 =	sld [smem:$0x3FB1];
	_ =	sdelay $0x3  }
0x34: {  	[smem:$0x3FB1] =	sst s10  }
0x35: {  	s10 =	sld [smem:$0x3FB0];
	_ =	sdelay $0x3  }
0x36: {  	p1 =	seq.s32 s10, $0x1;
	s10 =	sld [smem:$0x3FB1];
	_ =	sdelay $0x3  }
0x37: {  	[smem:$0x3FB1] =	sst s10  }
0x38: {  	s10 =	sld [smem:$0x3FB2]  }
0x39: {  	_ = 	snop;
	(pc) =	sbr.ind lr, $3  }
0x3a: {  	_ = 	snop  }
0x3b: {  	_ = 	snop  }
0x3c: {  	p2 =	seq.s32 s10, $0x1;
	s10 =	sld [smem:$0x3FB1]  }
0x3d: {  	_ =	shalt  }
0x3e: {  	_ =	shalt  }
0x3f: {  	_ =	shalt  }
0x40: {  	_ =	shalt  }
0x41: {  	_ =	shalt  }
0x42: {  	_ =	shalt  }
0x43: {  	_ =	shalt  }
0x44: {  	_ =	shalt  }
0x45: {  	_ =	shalt  }
0x46: {  	_ =	shalt  }
0x47: {  	_ =	shalt  }
0x48: {  	_ =	shalt  }
0x49: {  	_ =	shalt  }
0x4a: {  	_ =	shalt  }
0x4b: {  	_ =	shalt  }
0x4c: {  	_ =	shalt  }
0x4d: {  	_ =	shalt  }
0x4e: {  	_ =	shalt  }
0x4f: {  	_ =	shalt  }
0x50: {  	_ =	shalt  }
0x51: {  	_ =	shalt  }
0x52: {  	_ =	shalt  }
0x53: {  	_ =	shalt  }
0x54: {  	_ =	shalt  }
0x55: {  	_ =	shalt  }
0x56: {  	_ =	shalt  }
0x57: {  	_ =	shalt  }
0x58: {  	_ =	shalt  }
0x59: {  	_ =	shalt  }
0x5a: {  	_ =	shalt  }
0x5b: {  	_ =	shalt  }
0x5c: {  	_ =	shalt  }
0x5d: {  	_ =	shalt  }
0x5e: {  	_ =	shalt  }
0x5f: {  	_ =	shalt  }
0x60: {  	_ =	shalt  }
0x61: {  	_ =	shalt  }
0x62: {  	_ =	shalt  }
0x63: {  	_ =	shalt  }
0x64: {  	_ =	shalt  }
0x65: {  	_ =	shalt  }
0x66: {  	_ =	shalt  }
0x67: {  	_ =	shalt  }
0x68: {  	_ =	shalt  }
0x69: {  	_ =	shalt  }
0x6a: {  	_ =	shalt  }
0x6b: {  	_ =	shalt  }
0x6c: {  	_ =	shalt  }
0x6d: {  	_ =	shalt  }
0x6e: {  	_ =	shalt  }
0x6f: {  	_ =	shalt  }
0x70: {  	_ =	shalt  }
0x71: {  	_ =	shalt  }
0x72: {  	_ =	shalt  }
0x73: {  	_ =	shalt  }
0x74: {  	_ =	shalt  }
0x75: {  	_ =	shalt  }
0x76: {  	_ =	shalt  }
0x77: {  	_ =	shalt  }
0x78: {  	_ =	shalt  }
0x79: {  	_ =	shalt  }
0x7a: {  	_ =	shalt  }
0x7b: {  	_ =	shalt  }
0x7c: {  	_ =	shalt  }
0x7d: {  	_ =	shalt  }
0x7e: {  	_ =	shalt  }
0x7f: {  	_ =	shalt  }
0x80: {  	_ =	shalt  }
0x81: {  	_ =	shalt  }
0x82: {  	_ =	shalt  }
0x83: {  	_ =	shalt  }
0x84: {  	_ =	shalt  }
0x85: {  	_ =	shalt  }
0x86: {  	_ =	shalt  }
0x87: {  	_ =	shalt  }
.Lfunc_end0:
.L_simem_size_0:
called_computation.4_lowered:
.L_overlay_start_0:
0x88: {  	s2 =	sld [smem:$0x3FD9]  }
0x89: {  	s3 =	sld [smem:$0x3FFE];
	_ =	sdelay $0x1  }
0x8a: {  	s1 =	srdreg.scid  }
0x8b: {  	s0 =	sand.u32 $0x1, s1  }
0x8c: {  	s16 =	sshll.u32 s0, $0xA;
	s2 =	sadd.s32 s3, s2  }
0x8d: {  	s2 =	sadd.s32 s2, s16  }
0x8e: {  	[smem:$0x3FBD] =	sst s2  }
0x8f: {  	_ = 	snop  }
0x90: {  	(tm) =	ssettm $0x1  }
0x91: {  	s17 =	sld [smem:$0x3FFB];
	_ =	sdelay $0x3  }
0x92: {  	_ =	strace s17  }
0x93: {  	s2 =	sld [smem:$0x3FFC];
	_ =	sdelay $0x3  }
0x94: {  	_ =	strace s2  }
0x95: {  	s2 =	sld [smem:$0x3FFD];
	_ =	sdelay $0x3  }
0x96: {  	_ =	strace s2  }
0x97: {  	_ =	strace $0x8FFFFFFF  }
0x98: {  	s18 =	sld [smem:$0x3FDB];
	_ =	sdelay $0x1  }
0x99: {  	s19 =	simm.s32 $_scs_section_size  }
0x9a: {  	s4 =	simm.s32 $_size__tile_overlayer_lowered;
	s5 =	simm.s32 $_tile_overlayer_lowered  }
0x9b: {  	s22 =	simm.s32 $0x1BFF;
	s21 =	sshll.u32 s5, $0x1;
	s2 =	sadd.s32 s19, s18  }
0x9c: {  	s6 =	simm.s32 $0x0;
	s20 =	sshll.u32 s4, $0x1;
	s4 =	sadd.s32 s21, s2  }
0x9d: {  	[timem:s6], [sflag:s22] =	dma.local [hbm:s4], s20  }
0x9e: {  	_ =	swait.ge [sflag:s22], s20  }
0x9f: {  	s3 =	ssub.s32 $0x0, s20;
	[sflag:s22] =	ssyncset.done $0x0  }
0xa0: {  	[sflag:s22] =	ssyncadd.s32 s3;
	_ =	sdelay $0x1  }
0xa1: {  	s23 =	simm.s32 $0x1B8B  }
0xa2: {  	_ =	swait.ge [sflag:s23], $0x1  }
0xa3: {  	[sflag:s23] =	ssyncset.done $0x0  }
0xa4: {  	s25 =	simm.s32 $0x1B8E;
	s24 =	sld [smem:$0x3FFE];
	[sflag:s23] =	ssyncadd.s32 $0xFFFFFFFF  }
0xa5: {  	s26 =	simm.s32 $execute0_lowered;
	[smem:$0x3FD2] =	sst s25  }
0xa6: {  	s4 =	sshll.u32 s26, $0x1;
	_ =	strace $0x80000052;
	[dreg:$0x1] =	wrdreg $0xFFFFFFFF  }
0xa7: {  	s28 =	simm.s32 $_size_execute0_lowered;
	s2 =	sadd.s32 s2, s4;
	[dreg:$0x0] =	wrdreg $0x0  }
0xa8: {  	s4 =	sshll.u32 s28, $0x1;
	[dreg:$0x2] =	wrdreg s2  }
0xa9: {  	[dreg:$0x3] =	wrdreg s4  }
0xaa: {  	[dreg:$0x4] =	wrdreg $0xC0  }
0xab: {  	_ =	task [dreg:s6], $0x5FFFF  }
0xac: {  	[dreg:$0x1] =	wrdreg $0xFFFFFFFF  }
0xad: {  	[dreg:$0x0] =	wrdreg $0x60  }
0xae: {  	[dreg:$0x2] =	wrdreg s24  }
0xaf: {  	[dreg:$0x3] =	wrdreg $0x154000  }
0xb0: {  	[dreg:$0x4] =	wrdreg $0x9  }
0xb1: {  	_ =	task.clear_ibuf [dreg:s6], $0x5FFFF;
	_ =	strace $0x90000052  }
0xb2: {  	s29 =	simm.s32 $0x9;
	_ =	strace $0x80000054  }
0xb3: {  	_ =	swait.ge [sflag:s29], $0x1  }
0xb4: {  	[sflag:s29] =	ssyncadd.s32 $0xFFFFFFFF  }
0xb5: {  	_ =	strace $0x90000054  }
0xb6: {  	_ =	sfence  }
0xb7: {  	s30 =	sld [smem:$0x0];
	_ =	sdelay $0x2  }
0xb8: {  	s31 =	sshll.u32 s1, $0xD;
	s1 =	sshrl.u32 s1, $0x2  }
0xb9: {  	s3 =	sand.u32 $0x4000, s31;
	s1 =	sadd.s32 s1, s30  }
0xba: {  	s0 =	sor.u32 s3, s0;
	s1 =	sshll.u32 s1, $0x11  }
0xbb: {  	s0 =	sor.u32 s1, s0  }
0xbc: {  	s0 =	sadd.s32 $0x8F2B, s0  }
0xbd: {  	[sflag:s0] =	ssyncadd.remote.s32 $0x1  }
0xbe: {  	_ =	sfence.sel $0xFFFF  }
0xbf: {  	[dreg:$0x0] =	wrdreg $0xFFFFFFFF;
	(pc) =	sbr.abs _section_cstart, $3  }
0xc0: {  	[dreg:$0x1] =	wrdreg $0xFFFFFFFF  }
0xc1: {  	_ =	task.clear_ibuf [dreg:s6], $0x2FFFF;
	_ =	strace $0x9FFFFFFF  }
0xc2: {  	(tm) =	ssettm $0x7FFFFFFF  }
0xc3: {  	_ =	shalt  }
tec
execute0_lowered:
.L_overlay_start_1:
0x0: {  	(tag) =	ssettag $0x1  }
0x1: {  	s4 =	rddreg [dreg:$0x0]  }
0x2: {  	s1 =	rddreg [dreg:$0x1]  }
0x3: {  	s2 =	srdreg.scid;
	s0 =	rddreg [dreg:$0x2]  }
0x4: {  	s3 =	simm.s32 $0x0;
	s13 =	simm.s32 $0x1400;
	s14 =	simm.s32 $0x0  }
0x5: {  	s5 =	sand.u32 $0x1, s2;
	s2 =	stileid.u32;
	[smem:$0x7FF] =	sst s3  }
0x6: {  	s6 =	sshll.u32 s5, $0x4;
	s7 =	smul.u32 $0x2710, s2;
	_ =	strace $0x80000053  }
0x7: {  	s5 =	ssub.s32 $0x2, s5;
	s31 =	sshll.u32 s2, $0x6;
	s6 =	sor.u32 s2, s6  }
0x8: {  	s10 =	sshrl.u32 s5, $0x1;
	s8 =	smul.u32 $0x280, s6;
	s9 =	sshrl.u32 s7, $0x3  }
0x9: {  	s6 =	smul.u32 $0x2800, s6;
	s10 =	ssub.s32 s5, s10;
	s12 =	sadd.s32 s7, s1  }
0xa: {  	s5 =	sor.u32 $0x1C02, s31;
	s9 =	sadd.s32 s9, s4;
	s8 =	sadd.s32 s8, s4  }
0xb: {  	s11 =	sadd.s32 s6, s4;
	s4 =	sadd.s32 $0x8200, s9;
	s9 =	sshrl.u32 s12, $0x3  }
0xc: {  	s12 =	simm.s32 $0x1;
	s6 =	sadd.s32 $0x3200, s8;
	s7 =	sadd.s32 $0xFD200, s11  }
0xd: {  	s8 =	smax.u32 s10, $0x1;
	s10 =	simm.s32 $0x2;
	s11 =	simm.s32 $0x80  }
.LBB2_1:
0xe: {  	[spmem:s9], [sflag:s5] =	dma.local [hbm:s4], $0x4E2  }
0xf: {  	_ =	swait.ge [sflag:s10], $0x4E2  }
0x10: {  	[sflag:s10] =	ssyncset.done $0x0  }
0x11: {  	[sflag:s10] =	ssyncadd.s32 $0xFFFFFB1E  }
0x12: {  	[tilespmem:s3], [sflag:$0x2] =	stream.linear.gather [hbm4b:s6+s3], $0x1400, $0x38;
	[tilespmem:$0x17B10] =	vst v63  }
0x13: {  	_ =	swait.ge [sflag:s10], $0x1400  }
0x14: {  	[sflag:s10] =	ssyncset.done $0x0  }
0x15: {  	[sflag:s10] =	ssyncadd.s32 $0xFFFFEC00  }
0x16: {  	s15 =	simm.s32 $0x1400;
	s16 =	simm.s32 $0x0;
	[bflag:$0x0] =	sbarrier.arrive $0xFFFF  }
.LBB2_2:
0x17: {  	p0 =	sne.s32 s16, $0x4E00  }
.Ltmp0:
0x18: {  	_ = 	snop;
	(pc) =	sbr.rel @p0 .LBB2_2-.Ltmp0, $4  }
0x19: {  	_ = 	snop  }
0x1a: {  	s17 =	sshra.s32 s16, $0x2  }
0x1b: {  	[tilespmem:s15], [sflag:$0x1] =	stream.indirect.gather [spmem:s1], $0x10, s17, s11, $0xb8;
	[tilespmem:$0x17B10] =	vst v63  }
0x1c: {  	s16 =	sadd.s32 $0x200, s16;
	s15 =	sadd.s32 $0x800, s15  }
0x1d: {  	_ =	swait.ge [sflag:s12], $0x800  }
0x1e: {  	s15 =	simm.s32 $0x27;
	[sflag:s12] =	ssyncset.done $0x0  }
.LBB2_4:
0x1f: {  	p0 =	sne.s32 s15, $0x1;
	s15 =	sadd.s32 $0xFFFFFFFF, s15;
	[sflag:s12] =	ssyncadd.s32 $0xFFFFF800  }
.Ltmp1:
0x20: {  	(pc) =	sbr.rel @p0 .LBB2_4-.Ltmp1, $3  }
0x21: {  	_ =	sdelay $0x1  }
0x22: {  	_ =	swait.ge [sflag:s12], $0x800  }
0x23: {  	[sflag:s12] =	ssyncset.done $0x0  }
0x24: {  	s14 =	sadd.s32 $0x1, s14  }
0x25: {  	p0 =	sne.s32 s14, s8  }
.Ltmp2:
0x26: {  	[sflag:s12] =	ssyncadd.s32 $0xFFFFF800;
	(pc) =	sbr.rel @p0 .LBB2_1-.Ltmp2, $4  }
0x27: {  	[hbm4b:s7+s3] =	stream.linear.scatter [tilespmem:s13], [sflag:$0x2], $0x14000, $0x38;
	[tilespmem:$0x17B10] =	vst v63  }
0x28: {  	_ =	swait.ge [sflag:s10], $0x14000  }
0x29: {  	[sflag:s10] =	ssyncset.done $0x0  }
0x2a: {  	[sflag:s10] =	ssyncadd.s32 $0xFFFEC000  }
0x2b: {  	_ =	sfence.sel $0x180000  }
0x2c: {  	[bflag:$0x0] =	sbarrier.arrive $0xFFFF  }
0x2d: {  	p0 =	sne.s32 s2, $0x0;
	_ =	strace $0x90000053  }
0x2e: {  	s0 =	sadd.s32 @!p0 $0x100000, s0;
	[bflag:$0x2] =	sbarrier.arrive $0xFFFF  }
0x2f: {  	[sflag:s0] =	ssyncadd.tile.s32 @!p0 $0x1;
	_ =	shalt  }
.Lfunc_end2:
_tile_overlayer_lowered:
.L_overlay_start_2:
0x30: {  	(tag) =	ssettag $0x2  }
0x31: {  	s0 =	rddreg [dreg:$0x0];
	s2 =	stileid.u32  }
0x32: {  	s1 =	rddreg [dreg:$0x1];
	p0 =	sne.s32 s2, $0x0  }
0x33: {  	s3 =	rddreg [dreg:$0x2];
	[bflag:$0x3] =	sbarrier.arrive $0xFFFF;
	s2 =	simm.s32 @!p0 $0x1C02  }
0x34: {  	[timem:s3], [sflag:s2] =	dma.local @!p0 [hbm:s0], s1  }
0x35: {  	s0 =	simm.s32 @!p0 $0x2  }
0x36: {  	_ =	swait.ge @!p0 [sflag:s0], s1  }
0x37: {  	s1 =	ssub.s32 @!p0 $0x0, s1;
	[sflag:s0] =	ssyncset.done @!p0 $0x0  }
0x38: {  	[sflag:s0] =	ssyncadd.s32 @!p0 s1  }
0x39: {  	[bflag:$0x3] =	sbarrier.arrive $0xFFFF  }
0x3a: {  	_ =	shalt  }

// kernel: kernel.30.cloned.1.call-start
scs
__scs_entry_jumppad:
0x0: {  	(pc) =	sbr.rel $0x88, $3  }
0x1: {  	(tag) =	ssettag $0x0;
	lr =	simm.s32 $0x1  }
0x2: {  	[smem:$0x3F96] =	sst lr;
	_ =	strace $0xD0000000  }
0x3: {  	_ = 	snop  }
0x4: {  	_ = 	snop  }
0x5: {  	_ = 	snop  }
0x6: {  	_ = 	snop  }
0x7: {  	_ = 	snop  }
__scs_overlays_trampoline_lowered:
0x8: {  	[smem:$0x3FA5] =	sst s0  }
0x9: {  	[smem:$0x3FA6] =	sst s1  }
0xa: {  	[smem:$0x3FA7] =	sst s2  }
0xb: {  	[smem:$0x3FA8] =	sst s3  }
0xc: {  	[smem:$0x3FA9] =	sst s4  }
0xd: {  	[smem:$0x3FAA] =	sst s5  }
0xe: {  	[smem:$0x3FAB] =	sst s6  }
0xf: {  	[smem:$0x3FAC] =	sst s7  }
0x10: {  	[smem:$0x3FAD] =	sst s8  }
0x11: {  	[smem:$0x3FAE] =	sst s9;
	s0 =	simm.s32 @!p0 $0x0  }
0x12: {  	s1 =	sld [smem:$0x3F94];
	s0 =	simm.s32 @p0 $0x1  }
0x13: {  	[smem:$0x3FAF] =	sst s0;
	s0 =	simm.s32 @!p1 $0x0  }
0x14: {  	s2 =	sld [smem:$0x3F93];
	s0 =	simm.s32 @p1 $0x1  }
0x15: {  	[smem:$0x3FB0] =	sst s0;
	s0 =	simm.s32 @!p2 $0x0  }
0x16: {  	s3 =	sld [smem:$0x3FDB];
	s0 =	simm.s32 @p2 $0x1  }
0x17: {  	s4 =	simm.s32 $0x1BF5;
	[smem:$0x3FB2] =	sst s0  }
0x18: {  	s0 =	sld [smem:$0x3F95];
	_ =	swait.ge [sflag:s4], $0x0  }
0x19: {  	s7 =	sld [smem:$0x3F96]  }
0x1a: {  	s8 =	sadd.s32 $0xFFFFE003, lr  }
0x1b: {  	s9 =	sadd.s32 $0xFFFFFEF7, lr;
	s5 =	simm.s32 $0xFFFFFFFF;
	p2 =	slt.u32 s8, $0xFFFFF086  }
0x1c: {  	p1 =	slt.u32 s9, $0xF7A;
	s5 =	simm.s32 @!p2 $0x0  }
0x1d: {  	s5 =	simm.s32 @p1 $0x1;
	p0 =	seq.s32 s7, s2  }
0x1e: {  	s7 =	smul.u32 @!p0 $0xF7A, s2;
	p2 =	seq.s32 @!p0 s5, $0x0  }
0x1f: {  	s9 =	smul.u32 $0xF7A, s1;
	s8 =	simm.s32 @!p0 $0x1BF5;
	p2 =	por !p2, p0  }
0x20: {  	[sflag:s8] =	ssyncset.s32 @!p0 $0xFFFFF086;
	s6 =	sadd.s32 @!p0 s3, s7;
	s7 =	simm.s32 @!p0 $0x108  }
0x21: {  	s3 =	sadd.s32 s3, s9;
	s6 =	sadd.s32 @!p0 $0x88, s6;
	s7 =	simm.s32 @p2 $0x1082  }
0x22: {  	[simem:s7], [sflag:s8] =	dma.local @!p0 [hbm:s6], $0xF7A  }
0x23: {  	s9 =	sor.u32 $0xD0000000, s2;
	s6 =	simm.s32 $0x108;
	_ =	swait.ge @!p0 [sflag:s8], $0x0  }
0x24: {  	s3 =	sadd.s32 $0x88, s3;
	s6 =	simm.s32 @!p1 $0x1082;
	[sflag:s4] =	ssyncset.s32 $0xFFFFF086  }
0x25: {  	[simem:s6], [sflag:s4] =	dma.local [hbm:s3], $0xF7A  }
0x26: {  	[smem:$0x3F96] =	sst s1;
	(tag) =	ssettag s2;
	_ =	strace s9  }
0x27: {  	s1 =	sld [smem:$0x3FA6]  }
0x28: {  	s2 =	sld [smem:$0x3FA7]  }
0x29: {  	s4 =	sld [smem:$0x3FA9]  }
0x2a: {  	p0 =	seq.s32 s5, $0x0;
	s5 =	sld [smem:$0x3FAA]  }
0x2b: {  	s6 =	sld [smem:$0x3FAB]  }
0x2c: {  	s7 =	sld [smem:$0x3FAC]  }
0x2d: {  	s3 =	simm.s32 $0x108;
	s8 =	sld [smem:$0x3FAD]  }
0x2e: {  	s3 =	simm.s32 @!p0 $0x1082;
	s9 =	sld [smem:$0x3FAE]  }
0x2f: {  	lr =	sadd.s32 s0, s3;
	s0 =	sld [smem:$0x3FA5]  }
0x30: {  	s3 =	sld [smem:$0x3FA8]  }
0x31: {  	[smem:$0x3FB1] =	sst s10  }
0x32: {  	s10 =	sld [smem:$0x3FAF];
	_ =	sdelay $0x3  }
0x33: {  	p0 =	seq.s32 s10, $0x1;
	s10 =	sld [smem:$0x3FB1];
	_ =	sdelay $0x3  }
0x34: {  	[smem:$0x3FB1] =	sst s10  }
0x35: {  	s10 =	sld [smem:$0x3FB0];
	_ =	sdelay $0x3  }
0x36: {  	p1 =	seq.s32 s10, $0x1;
	s10 =	sld [smem:$0x3FB1];
	_ =	sdelay $0x3  }
0x37: {  	[smem:$0x3FB1] =	sst s10  }
0x38: {  	s10 =	sld [smem:$0x3FB2]  }
0x39: {  	_ = 	snop;
	(pc) =	sbr.ind lr, $3  }
0x3a: {  	_ = 	snop  }
0x3b: {  	_ = 	snop  }
0x3c: {  	p2 =	seq.s32 s10, $0x1;
	s10 =	sld [smem:$0x3FB1]  }
0x3d: {  	_ =	shalt  }
0x3e: {  	_ =	shalt  }
0x3f: {  	_ =	shalt  }
0x40: {  	_ =	shalt  }
0x41: {  	_ =	shalt  }
0x42: {  	_ =	shalt  }
0x43: {  	_ =	shalt  }
0x44: {  	_ =	shalt  }
0x45: {  	_ =	shalt  }
0x46: {  	_ =	shalt  }
0x47: {  	_ =	shalt  }
0x48: {  	_ =	shalt  }
0x49: {  	_ =	shalt  }
0x4a: {  	_ =	shalt  }
0x4b: {  	_ =	shalt  }
0x4c: {  	_ =	shalt  }
0x4d: {  	_ =	shalt  }
0x4e: {  	_ =	shalt  }
0x4f: {  	_ =	shalt  }
0x50: {  	_ =	shalt  }
0x51: {  	_ =	shalt  }
0x52: {  	_ =	shalt  }
0x53: {  	_ =	shalt  }
0x54: {  	_ =	shalt  }
0x55: {  	_ =	shalt  }
0x56: {  	_ =	shalt  }
0x57: {  	_ =	shalt  }
0x58: {  	_ =	shalt  }
0x59: {  	_ =	shalt  }
0x5a: {  	_ =	shalt  }
0x5b: {  	_ =	shalt  }
0x5c: {  	_ =	shalt  }
0x5d: {  	_ =	shalt  }
0x5e: {  	_ =	shalt  }
0x5f: {  	_ =	shalt  }
0x60: {  	_ =	shalt  }
0x61: {  	_ =	shalt  }
0x62: {  	_ =	shalt  }
0x63: {  	_ =	shalt  }
0x64: {  	_ =	shalt  }
0x65: {  	_ =	shalt  }
0x66: {  	_ =	shalt  }
0x67: {  	_ =	shalt  }
0x68: {  	_ =	shalt  }
0x69: {  	_ =	shalt  }
0x6a: {  	_ =	shalt  }
0x6b: {  	_ =	shalt  }
0x6c: {  	_ =	shalt  }
0x6d: {  	_ =	shalt  }
0x6e: {  	_ =	shalt  }
0x6f: {  	_ =	shalt  }
0x70: {  	_ =	shalt  }
0x71: {  	_ =	shalt  }
0x72: {  	_ =	shalt  }
0x73: {  	_ =	shalt  }
0x74: {  	_ =	shalt  }
0x75: {  	_ =	shalt  }
0x76: {  	_ =	shalt  }
0x77: {  	_ =	shalt  }
0x78: {  	_ =	shalt  }
0x79: {  	_ =	shalt  }
0x7a: {  	_ =	shalt  }
0x7b: {  	_ =	shalt  }
0x7c: {  	_ =	shalt  }
0x7d: {  	_ =	shalt  }
0x7e: {  	_ =	shalt  }
0x7f: {  	_ =	shalt  }
0x80: {  	_ =	shalt  }
0x81: {  	_ =	shalt  }
0x82: {  	_ =	shalt  }
0x83: {  	_ =	shalt  }
0x84: {  	_ =	shalt  }
0x85: {  	_ =	shalt  }
0x86: {  	_ =	shalt  }
0x87: {  	_ =	shalt  }
.Lfunc_end0:
.L_simem_size_0:
called_computation.5_lowered:
.L_overlay_start_0:
0x88: {  	s2 =	sld [smem:$0x3FD9]  }
0x89: {  	s3 =	sld [smem:$0x3FFE];
	_ =	sdelay $0x1  }
0x8a: {  	s1 =	srdreg.scid  }
0x8b: {  	s0 =	sand.u32 $0x1, s1  }
0x8c: {  	s17 =	sshll.u32 s0, $0xA;
	s2 =	sadd.s32 s3, s2  }
0x8d: {  	s2 =	sadd.s32 s2, s17  }
0x8e: {  	[smem:$0x3FBD] =	sst s2  }
0x8f: {  	_ = 	snop  }
0x90: {  	s2 =	sld [smem:$0x3FD0];
	(tm) =	ssettm $0x1  }
0x91: {  	s18 =	sld [smem:$0x3FFB];
	_ =	sdelay $0x3  }
0x92: {  	_ =	strace s18  }
0x93: {  	s3 =	sld [smem:$0x3FFC];
	_ =	sdelay $0x3  }
0x94: {  	_ =	strace s3  }
0x95: {  	s3 =	sld [smem:$0x3FFD];
	_ =	sdelay $0x3  }
0x96: {  	_ =	strace s3  }
0x97: {  	_ =	strace $0x8FFFFFFF  }
0x98: {  	s19 =	sld [smem:$0x3FDB];
	_ =	sdelay $0x1  }
0x99: {  	s4 =	simm.s32 $_scs_section_size  }
0x9a: {  	s5 =	simm.s32 $_size__tile_overlayer_lowered;
	s6 =	simm.s32 $_tile_overlayer_lowered  }
0x9b: {  	s22 =	simm.s32 $0x1BFF;
	s21 =	sshll.u32 s6, $0x1;
	s3 =	sadd.s32 s4, s19  }
0x9c: {  	s7 =	simm.s32 $0x0;
	s20 =	sshll.u32 s5, $0x1;
	s5 =	sadd.s32 s21, s3  }
0x9d: {  	[timem:s7], [sflag:s22] =	dma.local [hbm:s5], s20  }
0x9e: {  	_ =	swait.ge [sflag:s22], s20  }
0x9f: {  	s4 =	ssub.s32 $0x0, s20;
	[sflag:s22] =	ssyncset.done $0x0  }
0xa0: {  	[sflag:s22] =	ssyncadd.s32 s4;
	_ =	sdelay $0x1  }
0xa1: {  	s23 =	simm.s32 $0x1B8B  }
0xa2: {  	_ =	swait.ge [sflag:s23], $0x1  }
0xa3: {  	[sflag:s23] =	ssyncset.done $0x0  }
0xa4: {  	s25 =	simm.s32 $0x1B8E;
	s24 =	sld [smem:$0x3FFE];
	[sflag:s23] =	ssyncadd.s32 $0xFFFFFFFF  }
0xa5: {  	s26 =	simm.s32 $execute0_lowered;
	[smem:$0x3FD2] =	sst s25  }
0xa6: {  	s5 =	sshll.u32 s26, $0x1;
	_ =	strace $0x80000055;
	[dreg:$0x1] =	wrdreg $0xFFFFFFFF  }
0xa7: {  	s28 =	simm.s32 $_size_execute0_lowered;
	s3 =	sadd.s32 s3, s5;
	[dreg:$0x0] =	wrdreg $0x0  }
0xa8: {  	s5 =	sshll.u32 s28, $0x1;
	[dreg:$0x2] =	wrdreg s3  }
0xa9: {  	[dreg:$0x3] =	wrdreg s5  }
0xaa: {  	[dreg:$0x4] =	wrdreg $0xC0  }
0xab: {  	_ =	task [dreg:s7], $0x5FFFF  }
0xac: {  	[dreg:$0x1] =	wrdreg $0xFFFFFFFF  }
0xad: {  	[dreg:$0x0] =	wrdreg $0x60  }
0xae: {  	[dreg:$0x2] =	wrdreg s24  }
0xaf: {  	[dreg:$0x3] =	wrdreg s2  }
0xb0: {  	[dreg:$0x4] =	wrdreg $0x154000  }
0xb1: {  	[dreg:$0x5] =	wrdreg $0x9  }
0xb2: {  	_ =	task.clear_ibuf [dreg:s7], $0x6FFFF;
	_ =	strace $0x90000055  }
0xb3: {  	s29 =	simm.s32 $0x9;
	_ =	strace $0x80000057  }
0xb4: {  	_ =	swait.ge [sflag:s29], $0x1  }
0xb5: {  	[sflag:s29] =	ssyncadd.s32 $0xFFFFFFFF  }
0xb6: {  	_ =	strace $0x90000057  }
0xb7: {  	_ =	sfence  }
0xb8: {  	s30 =	sld [smem:$0x0];
	_ =	sdelay $0x2  }
0xb9: {  	s31 =	sshll.u32 s1, $0xD;
	s1 =	sshrl.u32 s1, $0x2  }
0xba: {  	s3 =	sand.u32 $0x4000, s31;
	s1 =	sadd.s32 s1, s30  }
0xbb: {  	s0 =	sor.u32 s3, s0;
	s1 =	sshll.u32 s1, $0x11  }
0xbc: {  	s0 =	sor.u32 s1, s0  }
0xbd: {  	s0 =	sadd.s32 $0x8F2B, s0  }
0xbe: {  	[sflag:s0] =	ssyncadd.remote.s32 $0x1  }
0xbf: {  	_ =	sfence.sel $0xFFFF  }
0xc0: {  	[dreg:$0x0] =	wrdreg $0xFFFFFFFF;
	(pc) =	sbr.abs _section_cstart, $3  }
0xc1: {  	[dreg:$0x1] =	wrdreg $0xFFFFFFFF  }
0xc2: {  	_ =	task.clear_ibuf [dreg:s7], $0x2FFFF;
	_ =	strace $0x9FFFFFFF  }
0xc3: {  	(tm) =	ssettm $0x7FFFFFFF  }
tec
execute0_lowered:
.L_overlay_start_1:
0x0: {  	(tag) =	ssettag $0x1  }
0x1: {  	s4 =	rddreg [dreg:$0x0]  }
0x2: {  	s6 =	rddreg [dreg:$0x1]  }
0x3: {  	s0 =	srdreg.scid;
	s2 =	rddreg [dreg:$0x2]  }
0x4: {  	s3 =	simm.s32 $0x0;
	s5 =	sand.u32 $0x1, s0;
	s0 =	stileid.u32  }
0x5: {  	[smem:$0x7FF] =	sst s3;
	s9 =	smul.u32 $0x4E40, s5  }
0x6: {  	s1 =	sshll.u32 s5, $0x4;
	s5 =	ssub.s32 $0x2, s5;
	s10 =	smul.u32 $0x2720, s0  }
0x7: {  	s31 =	sshll.u32 s0, $0x6;
	s7 =	sor.u32 s0, s1;
	s1 =	rddreg [dreg:$0x3]  }
0x8: {  	_ =	strace $0x80000056;
	s30 =	sshrl.u32 s5, $0x1;
	s8 =	smul.u32 $0x2800, s7  }
0x9: {  	s7 =	smul.u32 $0x280, s7;
	s9 =	sadd.s32 s9, s4;
	s11 =	ssub.s32 s5, s30  }
0xa: {  	s12 =	sshrl.u32 s10, $0x3;
	s10 =	sadd.s32 s10, s2;
	s5 =	sor.u32 $0x1C01, s31  }
0xb: {  	s13 =	sadd.s32 $0x5D200, s9;
	s9 =	sshrl.u32 s10, $0x3;
	s10 =	simm.s32 $0x1  }
0xc: {  	s8 =	sadd.s32 s8, s4;
	s7 =	sadd.s32 s7, s4;
	s4 =	sadd.s32 s6, s12  }
0xd: {  	s12 =	sadd.s32 s12, s13;
	s13 =	simm.s32 $0x0;
	s6 =	sadd.s32 $0x58200, s7  }
0xe: {  	s7 =	sadd.s32 $0x3200, s8;
	s8 =	smax.u32 s11, $0x1;
	s11 =	simm.s32 $0x80  }
.LBB2_1:
0xf: {  	[spmem:s9], [sflag:s5] =	dma.local [hbm:s4], $0x4E4  }
0x10: {  	_ =	swait.ge [sflag:s10], $0x4E4  }
0x11: {  	[sflag:s10] =	ssyncset.done $0x0  }
0x12: {  	[sflag:s10] =	ssyncadd.s32 $0xFFFFFB1C  }
0x13: {  	[tilespmem:s3], [sflag:$0x1] =	stream.linear.gather [hbm4b:s6+s3], $0x1400, $0x38;
	[tilespmem:$0x17B20] =	vst v63  }
0x14: {  	_ =	swait.ge [sflag:s10], $0x1400  }
0x15: {  	[sflag:s10] =	ssyncset.done $0x0  }
0x16: {  	s14 =	simm.s32 $0x1400;
	[sflag:s10] =	ssyncadd.s32 $0xFFFFEC00  }
0x17: {  	[tilespmem:s14], [sflag:$0x1] =	stream.linear.gather [hbm4b:s7+s3], $0x14000, $0x38;
	[tilespmem:$0x17B20] =	vst v63  }
0x18: {  	_ =	swait.ge [sflag:s10], $0x14000  }
0x19: {  	[sflag:s10] =	ssyncset.done $0x0  }
0x1a: {  	[sflag:s10] =	ssyncadd.s32 $0xFFFEC000  }
0x1b: {  	s15 =	simm.s32 $0x0;
	[bflag:$0x0] =	sbarrier.arrive $0xFFFF  }
0x1c: {  	[spmem:s2] =	stream.indirect.scatter.add.f32 [tilespmem:s14], [sflag:$0x1], $0x10, s15, s11, $0xb8;
	[tilespmem:$0x17B20] =	vst v63  }
0x1d: {  	_ =	swait.ge [sflag:s10], $0x800  }
0x1e: {  	s15 =	simm.s32 $0x200;
	[sflag:s10] =	ssyncset.done $0x0  }
.LBB2_2:
0x1f: {  	s16 =	sshra.s32 s15, $0x2  }
0x20: {  	[sflag:s10] =	ssyncadd.s32 $0xFFFFF800;
	s14 =	sadd.s32 $0x800, s14;
	p0 =	sne.s32 s15, $0x4E00  }
0x21: {  	[spmem:s2] =	stream.indirect.scatter.add.f32 [tilespmem:s14], [sflag:$0x1], $0x10, s16, s11, $0xb8;
	[tilespmem:$0x17B20] =	vst v63  }
.Ltmp0:
0x22: {  	_ = 	snop;
	(pc) =	sbr.rel @p0 .LBB2_2-.Ltmp0, $4  }
0x23: {  	_ = 	snop  }
0x24: {  	s15 =	sadd.s32 $0x200, s15  }
0x25: {  	_ =	swait.ge [sflag:s10], $0x800  }
0x26: {  	[sflag:s10] =	ssyncset.done $0x0  }
0x27: {  	s13 =	sadd.s32 $0x1, s13  }
0x28: {  	[sflag:s10] =	ssyncadd.s32 $0xFFFFF800;
	p0 =	sne.s32 s13, s8  }
.Ltmp1:
0x29: {  	[bflag:$0x0] =	sbarrier.arrive $0xFFFF;
	(pc) =	sbr.rel @p0 .LBB2_1-.Ltmp1, $4  }
0x2a: {  	[hbm:s12], [sflag:s5] =	dma.local [spmem:s9], $0x4E4  }
0x2b: {  	_ =	swait.ge [sflag:s10], $0x4E4  }
0x2c: {  	[sflag:s10] =	ssyncset.done $0x0  }
0x2d: {  	[sflag:s10] =	ssyncadd.s32 $0xFFFFFB1C  }
0x2e: {  	_ =	sfence.sel $0x180000  }
0x2f: {  	[bflag:$0x0] =	sbarrier.arrive $0xFFFF  }
0x30: {  	p0 =	sne.s32 s0, $0x0;
	_ =	strace $0x90000056  }
0x31: {  	s0 =	sadd.s32 @!p0 $0x100000, s1;
	[bflag:$0x2] =	sbarrier.arrive $0xFFFF  }
0x32: {  	[sflag:s0] =	ssyncadd.tile.s32 @!p0 $0x1;
	_ =	shalt  }
.Lfunc_end2:
_tile_overlayer_lowered:
.L_overlay_start_2:
0x33: {  	(tag) =	ssettag $0x2  }
0x34: {  	s0 =	rddreg [dreg:$0x0];
	s2 =	stileid.u32  }
0x35: {  	s1 =	rddreg [dreg:$0x1];
	p0 =	sne.s32 s2, $0x0  }
0x36: {  	s3 =	rddreg [dreg:$0x2];
	[bflag:$0x3] =	sbarrier.arrive $0xFFFF;
	s2 =	simm.s32 @!p0 $0x1C01  }
0x37: {  	[timem:s3], [sflag:s2] =	dma.local @!p0 [hbm:s0], s1  }
0x38: {  	s0 =	simm.s32 @!p0 $0x1  }
0x39: {  	_ =	swait.ge @!p0 [sflag:s0], s1  }
0x3a: {  	s1 =	ssub.s32 @!p0 $0x0, s1;
	[sflag:s0] =	ssyncset.done @!p0 $0x0  }
0x3b: {  	[sflag:s0] =	ssyncadd.s32 @!p0 s1  }
0x3c: {  	[bflag:$0x3] =	sbarrier.arrive $0xFFFF  }
0x3d: {  	_ =	shalt  }

</sc_bundles>
